<compile_context>
chip_gen: v7x
topology: tpu7x:2x2x1
jax: 0.10.2.dev20260603
libtpu: 0.0.44.dev20260713+nightly
codegen_flags: <defaults>
</compile_context>

<pallas_src>
import dataclasses
import functools

import jax
import jax.numpy as jnp
from jax import lax
from jax.experimental import pallas as pl
from jax.experimental.pallas import tpu as pltpu
from jax.experimental.pallas import tpu_sc as plsc

NUM_CORES = 2
NUM_SUBCORES = 16
LANES = 16

CHUNK = 64
NBUF = 2
N_LOC = 5632


def _sc_aggregate(xfull, xinit, rowp, colp, counts, cap, half, d):
    rows_per_tile = N_LOC // NUM_SUBCORES
    chunk = CHUNK
    nbuf = NBUF
    mesh = plsc.VectorSubcoreMesh(core_axis_name="c", subcore_axis_name="s")
    cp = pltpu.CompilerParams()
    if "needs_layout_passes" in pltpu.CompilerParams.__dataclass_fields__:
        cp = dataclasses.replace(cp, needs_layout_passes=False)

    @functools.partial(
        pl.kernel,
        out_type=jax.ShapeDtypeStruct((2 * N_LOC, 2, LANES * 8), jnp.float32),
        mesh=mesh,
        compiler_params=cp,
        scratch_types=[
            pltpu.VMEM_SHARED((N_LOC, 2, LANES * 8), jnp.float32),
            pltpu.VMEM((nbuf, chunk), jnp.int32),
            pltpu.VMEM((nbuf, chunk), jnp.int32),
            pltpu.VMEM((nbuf, chunk, 2, LANES * 8), jnp.float32),
            pltpu.VMEM((LANES,), jnp.int32),
        ] + [pltpu.SemaphoreType.DMA] * (3 * nbuf),
    )
    def sc_agg(xf_hbm, xi_hbm, row_hbm, col_hbm, cnt_hbm, out_hbm,
               acc, dsts, srcs, buf, cnt, *sems):
        sem_g = sems[:nbuf]
        sem_s = sems[nbuf:2 * nbuf]
        sem_i = sems[2 * nbuf:]
        cid = lax.axis_index("c")
        sid = lax.axis_index("s")
        rbase = sid * rows_per_tile
        init_cp = pltpu.async_copy(
            xi_hbm.at[pl.ds(cid * N_LOC + rbase, rows_per_tile)],
            acc.at[pl.ds(rbase, rows_per_tile)], sem_s[0])
        pltpu.sync_copy(cnt_hbm.at[cid], cnt)
        count = jnp.max(cnt[...])
        cpt = (count + chunk * NUM_SUBCORES - 1) // (chunk * NUM_SUBCORES)
        cpt = ((cpt + nbuf - 1) // nbuf) * nbuf
        cpt = jnp.maximum(cpt, nbuf)
        rounds = cpt // nbuf
        ebase = cid * cap + sid * cpt * chunk
        base_row = cid * half

        init_cp.wait()
        plsc.subcore_barrier()

        def stage_idx(c, b):
            pltpu.async_copy(row_hbm.at[pl.ds(ebase + c * chunk, chunk)],
                             dsts.at[b], sem_i[b])
            pltpu.async_copy(col_hbm.at[pl.ds(ebase + c * chunk, chunk)],
                             srcs.at[b], sem_i[b])

        def wait_idx(c, b):
            pltpu.make_async_copy(
                row_hbm.at[pl.ds(ebase + c * chunk, chunk)],
                dsts.at[b], sem_i[b]).wait()
            pltpu.make_async_copy(
                col_hbm.at[pl.ds(ebase + c * chunk, chunk)],
                srcs.at[b], sem_i[b]).wait()

        def transform(b):
            for i in range(chunk // LANES):
                sl = pl.ds(i * LANES, LANES)
                r = dsts.at[b, sl][...]
                c_ = srcs.at[b, sl][...]
                dv = lax.iota(jnp.int32, LANES) + (half + i * LANES)
                dsts.at[b, sl][...] = jnp.where(r == c_, dv, r - base_row)

        def start_gather(b):
            pltpu.async_copy(xf_hbm.at[srcs.at[b]], buf.at[b], sem_g[b])

        def wait_gather(b):
            pltpu.make_async_copy(
                xf_hbm.at[srcs.at[b]], buf.at[b], sem_g[b]).wait()

        for b in range(nbuf):
            stage_idx(b, b)
            wait_idx(b, b)
            transform(b)
            start_gather(b)

        @pl.loop(0, rounds - 1)
        def _(q):
            c0 = q * nbuf
            for b in range(nbuf):
                c = c0 + b
                wait_gather(b)
                pltpu.async_copy(buf.at[b], acc.at[dsts.at[b]], sem_s[b],
                                 add=True)
                pltpu.make_async_copy(
                    buf.at[b], acc.at[dsts.at[b]], sem_s[b]).wait()
                stage_idx(c + nbuf, b)
                wait_idx(c + nbuf, b)
                transform(b)
                start_gather(b)

        for b in range(nbuf):
            wait_gather(b)
            pltpu.sync_copy(buf.at[b], acc.at[dsts.at[b]], add=True)

        plsc.subcore_barrier()
        pltpu.sync_copy(
            acc.at[pl.ds(rbase, rows_per_tile)],
            out_hbm.at[pl.ds(cid * N_LOC + rbase, rows_per_tile)],
        )

    return sc_agg(xfull, xinit, rowp, colp, counts)


def _tc_mlp(s, W1, b1, W2, b2, d):
    bm = 1024
    n_rows = s.shape[0]

    def body(s_ref, w1_ref, b1_ref, w2_ref, b2_ref, o_ref):
        h = jnp.maximum(
            jnp.dot(s_ref[...], w1_ref[...],
                    preferred_element_type=jnp.float32) + b1_ref[...], 0.0)
        o_ref[...] = jnp.dot(h, w2_ref[...],
                             preferred_element_type=jnp.float32) + b2_ref[...]

    return pl.pallas_call(
        body,
        grid=(n_rows // bm,),
        in_specs=[
            pl.BlockSpec((bm, d), lambda i: (i, 0)),
            pl.BlockSpec((d, d), lambda i: (0, 0)),
            pl.BlockSpec((1, d), lambda i: (0, 0)),
            pl.BlockSpec((d, d), lambda i: (0, 0)),
            pl.BlockSpec((1, d), lambda i: (0, 0)),
        ],
        out_specs=pl.BlockSpec((bm, d), lambda i: (i, 0)),
        out_shape=jax.ShapeDtypeStruct((n_rows, d), jnp.float32),
    )(s, W1, b1, W2, b2)


def kernel(x_in, edge_index, W1, b1, W2, b2):
    n, d = x_in.shape
    e = edge_index.shape[1]
    half = n // 2
    nhi = n - half

    cap_quant = NUM_SUBCORES * CHUNK * NBUF
    cap = ((e + cap_quant - 1) // cap_quant) * cap_quant
    row = edge_index[0]
    col = edge_index[1]
    is_right = row >= half
    s_i = is_right.astype(jnp.int32)
    n_right = jnp.sum(s_i)
    left_pos = jnp.cumsum(1 - s_i) - (1 - s_i)
    right_pos = jnp.cumsum(s_i) - s_i
    pos = jnp.where(is_right, cap + right_pos, left_pos)
    rowp = jnp.zeros((2 * cap,), jnp.int32).at[pos].set(row)
    colp = jnp.zeros((2 * cap,), jnp.int32).at[pos].set(col)
    counts = jnp.stack([
        jnp.full((LANES,), e, jnp.int32) - n_right.astype(jnp.int32),
        jnp.broadcast_to(n_right.astype(jnp.int32), (LANES,)),
    ])

    xinit = jnp.concatenate([
        jnp.pad(x_in[:half], ((0, N_LOC - half), (0, 0))),
        jnp.pad(x_in[half:], ((0, N_LOC - nhi), (0, 0))),
    ], axis=0)

    sums = _sc_aggregate(x_in.reshape(n, 2, 128), xinit.reshape(2 * N_LOC, 2, 128), rowp, colp, counts, cap, half, d).reshape(2 * N_LOC, d)
    out = _tc_mlp(sums, W1, b1[None, :], W2, b2[None, :], d)
    return jnp.concatenate([out[:half], out[N_LOC:N_LOC + nhi]], axis=0)

# --- scband reference (transcript-rebuilt; emitter-appended) ---
"""Pipeline reference for scband-ginconv-14723147890834 (READ-ONLY COPY).

The authoritative reference and input builder live on the scoring server;
editing this copy changes nothing except your own understanding.
"""

import jax, jax.numpy as jnp
import numpy as np

N = 10000
E = 160000
D = 256
EPS = 0.0


def setup_inputs(seed: int = 0) -> dict:
    key = jax.random.key(seed)
    k1, k2, k3, k4, k5, k6 = jax.random.split(key, 6)
    x_in = jax.random.normal(k1, (N, D), dtype=jnp.float32)
    edge_index = jax.random.randint(k2, (2, E), 0, N, dtype=jnp.int32)
    # MLP h_Theta = Linear(D,D) -> ReLU -> Linear(D,D)
    s = 1.0 / np.sqrt(D)
    W1 = jax.random.uniform(k3, (D, D), dtype=jnp.float32, minval=-s, maxval=s)
    b1 = jax.random.uniform(k4, (D,), dtype=jnp.float32, minval=-s, maxval=s)
    W2 = jax.random.uniform(k5, (D, D), dtype=jnp.float32, minval=-s, maxval=s)
    b2 = jax.random.uniform(k6, (D,), dtype=jnp.float32, minval=-s, maxval=s)
    return {"x_in": x_in, "edge_index": edge_index, "W1": W1, "b1": b1, "W2": W2, "b2": b2}


def reference(x_in, edge_index, W1, b1, W2, b2):
    # GINConv forward: x' = MLP((1+eps) * x + sum_{j in N(i)} x_j)
    row = edge_index[0]
    col = edge_index[1]
    # remove_self_loops: zero-weight self-loop edges (keeps static shapes)
    keep = (row != col).astype(x_in.dtype)
    msgs = jnp.take(x_in, col, axis=0) * keep[:, None]
    agg = jnp.zeros_like(x_in).at[row].add(msgs)
    sums = (1.0 + EPS) * x_in + agg
    # MLP: Linear -> ReLU -> Linear (torch Linear: y = x @ W.T + b; here W stored as (in,out))
    h = jnp.maximum(sums @ W1 + b1, 0.0)
    out = h @ W2 + b2
    return out

if __name__ == "__main__":
    import jax
    _d = setup_inputs()
    print(jax.jit(kernel)(*tuple(_d.values())))

</pallas_src>

<mosaic_0001>
#map = affine_map<(d0, d1) -> (0, 0, 0)>
#map1 = affine_map<(d0, d1) -> (0)>
#map2 = affine_map<(d0, d1) -> (0, 0)>
module attributes {stable_mosaic.version = 14 : i64} {
  func.func @sc_agg(%arg0: i32, %arg1: i32, %arg2: memref<10000x2x128xf32, #tpu.memory_space<hbm>>, %arg3: memref<11264x2x128xf32, #tpu.memory_space<hbm>>, %arg4: memref<323584xi32, #tpu.memory_space<hbm>>, %arg5: memref<323584xi32, #tpu.memory_space<hbm>>, %arg6: memref<2x16xi32, #tpu.memory_space<hbm>>, %arg7: memref<11264x2x128xf32, #tpu.memory_space<hbm>>, %arg8: memref<5632x2x128xf32, #tpu.memory_space<vmem_shared>>, %arg9: memref<2x64xi32, #tpu.memory_space<vmem>>, %arg10: memref<2x64xi32, #tpu.memory_space<vmem>>, %arg11: memref<2x64x2x128xf32, #tpu.memory_space<vmem>>, %arg12: memref<16xi32, #tpu.memory_space<vmem>>, %arg13: memref<!tpu.dma_semaphore, #tpu.memory_space<semaphore_mem>>, %arg14: memref<!tpu.dma_semaphore, #tpu.memory_space<semaphore_mem>>, %arg15: memref<!tpu.dma_semaphore, #tpu.memory_space<semaphore_mem>>, %arg16: memref<!tpu.dma_semaphore, #tpu.memory_space<semaphore_mem>>, %arg17: memref<!tpu.dma_semaphore, #tpu.memory_space<semaphore_mem>>, %arg18: memref<!tpu.dma_semaphore, #tpu.memory_space<semaphore_mem>>) attributes {dimension_semantics = [#tpu.dimension_semantics<core_parallel>, #tpu.dimension_semantics<subcore_parallel>], iteration_bounds = array<i64: 2, 16>, scalar_prefetch = 0 : i64, scratch_operands = 11 : i64, tpu.core_type = #tpu.core_type<sc_vector_subcore>, window_params = [{transform_indices = #map}, {transform_indices = #map}, {transform_indices = #map1}, {transform_indices = #map1}, {transform_indices = #map2}, {transform_indices = #map}]} {
    %mul3A = arith.constant 352 : i32
    %mul3A_0 = arith.muli %arg1, %mul3A : i32
    %mul3A_1 = arith.constant 5632 : i32
    %mul3A_2 = arith.muli %arg0, %mul3A_1 : i32
    %add3A = arith.addi %mul3A_2, %mul3A_0 : i32
    %dma_start3A = arith.constant 0 : i32
    %dma_start3A_3 = arith.constant 0 : i32
    %dma_start3A_4 = tpu.memref_slice %arg8[%mul3A_0, %dma_start3A, %dma_start3A_3] : memref<5632x2x128xf32, #tpu.memory_space<vmem_shared>> -> memref<352x2x128xf32, #tpu.memory_space<vmem_shared>>
    %dma_start3A_5 = arith.constant 0 : i32
    %dma_start3A_6 = arith.constant 0 : i32
    %dma_start3A_7 = tpu.memref_slice %arg3[%add3A, %dma_start3A_5, %dma_start3A_6] : memref<11264x2x128xf32, #tpu.memory_space<hbm>> -> memref<352x2x128xf32, #tpu.memory_space<hbm>>
    tpu.enqueue_dma source(%dma_start3A_7 : memref<352x2x128xf32, #tpu.memory_space<hbm>>) target(%dma_start3A_4 : memref<352x2x128xf32, #tpu.memory_space<vmem_shared>>) target_semaphore(%arg15 : memref<!tpu.dma_semaphore, #tpu.memory_space<semaphore_mem>>)
    "tpu.region"() ({
      %run_scoped3A_432 = tpu.sem_alloc : memref<!tpu.dma_semaphore, #tpu.memory_space<semaphore_mem>>
      %dma_start3A_433 = arith.constant 0 : i32
      %dma_start3A_434 = tpu.memref_slice %arg6[%arg0, %dma_start3A_433] : memref<2x16xi32, #tpu.memory_space<hbm>> -> memref<1x16xi32, #tpu.memory_space<hbm>>
      %dma_start3A_435 = tpu.memref_squeeze %dma_start3A_434 : memref<1x16xi32, #tpu.memory_space<hbm>> -> memref<16xi32, #tpu.memory_space<hbm>>
      %dma_start3A_436 = arith.constant 0 : i32
      %dma_start3A_437 = tpu.memref_slice %arg6[%arg0, %dma_start3A_436] : memref<2x16xi32, #tpu.memory_space<hbm>> -> memref<1x16xi32, #tpu.memory_space<hbm>>
      %dma_start3A_438 = tpu.memref_squeeze %dma_start3A_437 : memref<1x16xi32, #tpu.memory_space<hbm>> -> memref<16xi32, #tpu.memory_space<hbm>>
      tpu.enqueue_dma source(%dma_start3A_438 : memref<16xi32, #tpu.memory_space<hbm>>) target(%arg12 : memref<16xi32, #tpu.memory_space<vmem>>) target_semaphore(%run_scoped3A_432 : memref<!tpu.dma_semaphore, #tpu.memory_space<semaphore_mem>>)
      %dma_wait3A_439 = arith.constant 0 : i32
      %dma_wait3A_440 = tpu.memref_slice %arg6[%arg0, %dma_wait3A_439] : memref<2x16xi32, #tpu.memory_space<hbm>> -> memref<1x16xi32, #tpu.memory_space<hbm>>
      %dma_wait3A_441 = tpu.memref_squeeze %dma_wait3A_440 : memref<1x16xi32, #tpu.memory_space<hbm>> -> memref<16xi32, #tpu.memory_space<hbm>>
      %dma_wait3A_442 = arith.constant 0 : i32
      %dma_wait3A_443 = tpu.memref_slice %arg6[%arg0, %dma_wait3A_442] : memref<2x16xi32, #tpu.memory_space<hbm>> -> memref<1x16xi32, #tpu.memory_space<hbm>>
      %dma_wait3A_444 = tpu.memref_squeeze %dma_wait3A_443 : memref<1x16xi32, #tpu.memory_space<hbm>> -> memref<16xi32, #tpu.memory_space<hbm>>
      tpu.wait_dma2 semaphore(%run_scoped3A_432 : memref<!tpu.dma_semaphore, #tpu.memory_space<semaphore_mem>>) src(%dma_wait3A_444 : memref<16xi32, #tpu.memory_space<hbm>>) dst(%arg12 : memref<16xi32, #tpu.memory_space<vmem>>)
      tpu.yield
    }) : () -> ()
    %get3A = arith.constant 0 : index
    %get3A_8 = tpu.vector_load %arg12[%get3A] {strides = array<i32>} : memref<16xi32, #tpu.memory_space<vmem>>, vector<16xi32>,
    %reduce_max3A = arith.constant true
    %reduce_max3A_9 = vector.broadcast %reduce_max3A : i1 to vector<16xi1>
    %reduce_max3A_10 = arith.constant -2147483648 : i32
    %reduce_max3A_11 = vector.broadcast %reduce_max3A_10 : i32 to vector<16xi32>
    %reduce_max3A_12 = arith.xori %get3A_8, %reduce_max3A_11 : vector<16xi32>
    %reduce_max3A_13 = tpu.scan <max>, %reduce_max3A_12 masked %reduce_max3A_9 : vector<16xi32>, vector<16xi1> -> vector<16xi32>
    %reduce_max3A_14 = arith.xori %reduce_max3A_13, %reduce_max3A_11 : vector<16xi32>
    %reduce_max3A_15 = vector.extract %reduce_max3A_14[15] : i32 from vector<16xi32>
    %add3A_16 = arith.constant 1024 : i32
    %add3A_17 = arith.addi %reduce_max3A_15, %add3A_16 : i32
    %sub3A = arith.constant 1 : i32
    %sub3A_18 = arith.subi %add3A_17, %sub3A : i32
    %jit3A = arith.constant 1024 : i32
    %div3A = arith.divsi %sub3A_18, %jit3A : i32
    %sign3A = arith.constant 0 : i32
    %sign3A_19 = arith.cmpi sgt, %sub3A_18, %sign3A : i32
    %sign3A_20 = arith.extui %sign3A_19 : i1 to i32
    %sign3A_21 = arith.constant 0 : i32
    %sign3A_22 = arith.cmpi slt, %sub3A_18, %sign3A_21 : i32
    %sign3A_23 = arith.extui %sign3A_22 : i1 to i32
    %sign3A_24 = arith.subi %sign3A_20, %sign3A_23 : i32
    %sign3A_25 = arith.constant 0 : i32
    %sign3A_26 = arith.cmpi sgt, %jit3A, %sign3A_25 : i32
    %sign3A_27 = arith.extui %sign3A_26 : i1 to i32
    %sign3A_28 = arith.constant 0 : i32
    %sign3A_29 = arith.cmpi slt, %jit3A, %sign3A_28 : i32
    %sign3A_30 = arith.extui %sign3A_29 : i1 to i32
    %sign3A_31 = arith.subi %sign3A_27, %sign3A_30 : i32
    %ne3A = arith.cmpi ne, %sign3A_24, %sign3A_31 : i32
    %rem3A = arith.remsi %sub3A_18, %jit3A : i32
    %ne3A_32 = arith.constant 0 : i32
    %ne3A_33 = arith.cmpi ne, %rem3A, %ne3A_32 : i32
    %and3A = arith.andi %ne3A, %ne3A_33 : i1
    %sub3A_34 = arith.constant 1 : i32
    %sub3A_35 = arith.subi %div3A, %sub3A_34 : i32
    %select_n3A = arith.select %and3A, %sub3A_35, %div3A : i32
    %add3A_36 = arith.constant 2 : i32
    %add3A_37 = arith.addi %select_n3A, %add3A_36 : i32
    %sub3A_38 = arith.constant 1 : i32
    %sub3A_39 = arith.subi %add3A_37, %sub3A_38 : i32
    %jit3A_40 = arith.constant 2 : i32
    %div3A_41 = arith.divsi %sub3A_39, %jit3A_40 : i32
    %sign3A_42 = arith.constant 0 : i32
    %sign3A_43 = arith.cmpi sgt, %sub3A_39, %sign3A_42 : i32
    %sign3A_44 = arith.extui %sign3A_43 : i1 to i32
    %sign3A_45 = arith.constant 0 : i32
    %sign3A_46 = arith.cmpi slt, %sub3A_39, %sign3A_45 : i32
    %sign3A_47 = arith.extui %sign3A_46 : i1 to i32
    %sign3A_48 = arith.subi %sign3A_44, %sign3A_47 : i32
    %sign3A_49 = arith.constant 0 : i32
    %sign3A_50 = arith.cmpi sgt, %jit3A_40, %sign3A_49 : i32
    %sign3A_51 = arith.extui %sign3A_50 : i1 to i32
    %sign3A_52 = arith.constant 0 : i32
    %sign3A_53 = arith.cmpi slt, %jit3A_40, %sign3A_52 : i32
    %sign3A_54 = arith.extui %sign3A_53 : i1 to i32
    %sign3A_55 = arith.subi %sign3A_51, %sign3A_54 : i32
    %ne3A_56 = arith.cmpi ne, %sign3A_48, %sign3A_55 : i32
    %rem3A_57 = arith.remsi %sub3A_39, %jit3A_40 : i32
    %ne3A_58 = arith.constant 0 : i32
    %ne3A_59 = arith.cmpi ne, %rem3A_57, %ne3A_58 : i32
    %and3A_60 = arith.andi %ne3A_56, %ne3A_59 : i1
    %sub3A_61 = arith.constant 1 : i32
    %sub3A_62 = arith.subi %div3A_41, %sub3A_61 : i32
    %select_n3A_63 = arith.select %and3A_60, %sub3A_62, %div3A_41 : i32
    %mul3A_64 = arith.constant 2 : i32
    %mul3A_65 = arith.muli %select_n3A_63, %mul3A_64 : i32
    %max3A = arith.constant 2 : i32
    %max3A_66 = arith.maxsi %mul3A_65, %max3A : i32
    %jit3A_67 = arith.constant 2 : i32
    %div3A_68 = arith.divsi %max3A_66, %jit3A_67 : i32
    %sign3A_69 = arith.constant 0 : i32
    %sign3A_70 = arith.cmpi sgt, %max3A_66, %sign3A_69 : i32
    %sign3A_71 = arith.extui %sign3A_70 : i1 to i32
    %sign3A_72 = arith.constant 0 : i32
    %sign3A_73 = arith.cmpi slt, %max3A_66, %sign3A_72 : i32
    %sign3A_74 = arith.extui %sign3A_73 : i1 to i32
    %sign3A_75 = arith.subi %sign3A_71, %sign3A_74 : i32
    %sign3A_76 = arith.constant 0 : i32
    %sign3A_77 = arith.cmpi sgt, %jit3A_67, %sign3A_76 : i32
    %sign3A_78 = arith.extui %sign3A_77 : i1 to i32
    %sign3A_79 = arith.constant 0 : i32
    %sign3A_80 = arith.cmpi slt, %jit3A_67, %sign3A_79 : i32
    %sign3A_81 = arith.extui %sign3A_80 : i1 to i32
    %sign3A_82 = arith.subi %sign3A_78, %sign3A_81 : i32
    %ne3A_83 = arith.cmpi ne, %sign3A_75, %sign3A_82 : i32
    %rem3A_84 = arith.remsi %max3A_66, %jit3A_67 : i32
    %ne3A_85 = arith.constant 0 : i32
    %ne3A_86 = arith.cmpi ne, %rem3A_84, %ne3A_85 : i32
    %and3A_87 = arith.andi %ne3A_83, %ne3A_86 : i1
    %sub3A_88 = arith.constant 1 : i32
    %sub3A_89 = arith.subi %div3A_68, %sub3A_88 : i32
    %select_n3A_90 = arith.select %and3A_87, %sub3A_89, %div3A_68 : i32
    %mul3A_91 = arith.constant 161792 : i32
    %mul3A_92 = arith.muli %arg0, %mul3A_91 : i32
    %mul3A_93 = arith.muli %arg1, %max3A_66 : i32
    %mul3A_94 = arith.constant 64 : i32
    %mul3A_95 = arith.muli %mul3A_93, %mul3A_94 : i32
    %add3A_96 = arith.addi %mul3A_92, %mul3A_95 : i32
    %mul3A_97 = arith.constant 5000 : i32
    %mul3A_98 = arith.muli %arg0, %mul3A_97 : i32
    %dma_wait3A = arith.constant 0 : i32
    %dma_wait3A_99 = arith.constant 0 : i32
    %dma_wait3A_100 = tpu.memref_slice %arg8[%mul3A_0, %dma_wait3A, %dma_wait3A_99] : memref<5632x2x128xf32, #tpu.memory_space<vmem_shared>> -> memref<352x2x128xf32, #tpu.memory_space<vmem_shared>>
    %dma_wait3A_101 = arith.constant 0 : i32
    %dma_wait3A_102 = arith.constant 0 : i32
    %dma_wait3A_103 = tpu.memref_slice %arg3[%add3A, %dma_wait3A_101, %dma_wait3A_102] : memref<11264x2x128xf32, #tpu.memory_space<hbm>> -> memref<352x2x128xf32, #tpu.memory_space<hbm>>
    tpu.wait_dma2 semaphore(%arg15 : memref<!tpu.dma_semaphore, #tpu.memory_space<semaphore_mem>>) src(%dma_wait3A_103 : memref<352x2x128xf32, #tpu.memory_space<hbm>>) dst(%dma_wait3A_100 : memref<352x2x128xf32, #tpu.memory_space<vmem_shared>>)
    %barrier3A = arith.constant 0 : index
    tpu.barrier barrier_id(%barrier3A)
    %add3A_104 = arith.constant 0 : i32
    %add3A_105 = arith.addi %add3A_96, %add3A_104 : i32
    %dma_start3A_106 = arith.constant 0 : i32
    %dma_start3A_107 = arith.constant 0 : i32
    %dma_start3A_108 = tpu.memref_slice %arg9[%dma_start3A_106, %dma_start3A_107] : memref<2x64xi32, #tpu.memory_space<vmem>> -> memref<1x64xi32, #tpu.memory_space<vmem>>
    %dma_start3A_109 = tpu.memref_squeeze %dma_start3A_108 : memref<1x64xi32, #tpu.memory_space<vmem>> -> memref<64xi32, #tpu.memory_space<vmem>>
    %dma_start3A_110 = tpu.memref_slice %arg4[%add3A_105] : memref<323584xi32, #tpu.memory_space<hbm>> -> memref<64xi32, #tpu.memory_space<hbm>>
    %dma_start3A_111 = arith.constant 0 : i32
    %dma_start3A_112 = tpu.memref_slice %arg9[%dma_start3A_106, %dma_start3A_111] : memref<2x64xi32, #tpu.memory_space<vmem>> -> memref<1x64xi32, #tpu.memory_space<vmem>>
    %dma_start3A_113 = tpu.memref_squeeze %dma_start3A_112 : memref<1x64xi32, #tpu.memory_space<vmem>> -> memref<64xi32, #tpu.memory_space<vmem>>
    %dma_start3A_114 = tpu.memref_slice %arg4[%add3A_105] : memref<323584xi32, #tpu.memory_space<hbm>> -> memref<64xi32, #tpu.memory_space<hbm>>
    tpu.enqueue_dma source(%dma_start3A_114 : memref<64xi32, #tpu.memory_space<hbm>>) target(%dma_start3A_113 : memref<64xi32, #tpu.memory_space<vmem>>) target_semaphore(%arg17 : memref<!tpu.dma_semaphore, #tpu.memory_space<semaphore_mem>>)
    %add3A_115 = arith.constant 0 : i32
    %add3A_116 = arith.addi %add3A_96, %add3A_115 : i32
    %dma_start3A_117 = arith.constant 0 : i32
    %dma_start3A_118 = arith.constant 0 : i32
    %dma_start3A_119 = tpu.memref_slice %arg10[%dma_start3A_117, %dma_start3A_118] : memref<2x64xi32, #tpu.memory_space<vmem>> -> memref<1x64xi32, #tpu.memory_space<vmem>>
    %dma_start3A_120 = tpu.memref_squeeze %dma_start3A_119 : memref<1x64xi32, #tpu.memory_space<vmem>> -> memref<64xi32, #tpu.memory_space<vmem>>
    %dma_start3A_121 = tpu.memref_slice %arg5[%add3A_116] : memref<323584xi32, #tpu.memory_space<hbm>> -> memref<64xi32, #tpu.memory_space<hbm>>
    %dma_start3A_122 = arith.constant 0 : i32
    %dma_start3A_123 = tpu.memref_slice %arg10[%dma_start3A_117, %dma_start3A_122] : memref<2x64xi32, #tpu.memory_space<vmem>> -> memref<1x64xi32, #tpu.memory_space<vmem>>
    %dma_start3A_124 = tpu.memref_squeeze %dma_start3A_123 : memref<1x64xi32, #tpu.memory_space<vmem>> -> memref<64xi32, #tpu.memory_space<vmem>>
    %dma_start3A_125 = tpu.memref_slice %arg5[%add3A_116] : memref<323584xi32, #tpu.memory_space<hbm>> -> memref<64xi32, #tpu.memory_space<hbm>>
    tpu.enqueue_dma source(%dma_start3A_125 : memref<64xi32, #tpu.memory_space<hbm>>) target(%dma_start3A_124 : memref<64xi32, #tpu.memory_space<vmem>>) target_semaphore(%arg17 : memref<!tpu.dma_semaphore, #tpu.memory_space<semaphore_mem>>)
    %add3A_126 = arith.constant 0 : i32
    %add3A_127 = arith.addi %add3A_96, %add3A_126 : i32
    %dma_wait3A_128 = arith.constant 0 : i32
    %dma_wait3A_129 = arith.constant 0 : i32
    %dma_wait3A_130 = tpu.memref_slice %arg9[%dma_wait3A_128, %dma_wait3A_129] : memref<2x64xi32, #tpu.memory_space<vmem>> -> memref<1x64xi32, #tpu.memory_space<vmem>>
    %dma_wait3A_131 = tpu.memref_squeeze %dma_wait3A_130 : memref<1x64xi32, #tpu.memory_space<vmem>> -> memref<64xi32, #tpu.memory_space<vmem>>
    %dma_wait3A_132 = tpu.memref_slice %arg4[%add3A_127] : memref<323584xi32, #tpu.memory_space<hbm>> -> memref<64xi32, #tpu.memory_space<hbm>>
    %dma_wait3A_133 = arith.constant 0 : i32
    %dma_wait3A_134 = tpu.memref_slice %arg9[%dma_wait3A_128, %dma_wait3A_133] : memref<2x64xi32, #tpu.memory_space<vmem>> -> memref<1x64xi32, #tpu.memory_space<vmem>>
    %dma_wait3A_135 = tpu.memref_squeeze %dma_wait3A_134 : memref<1x64xi32, #tpu.memory_space<vmem>> -> memref<64xi32, #tpu.memory_space<vmem>>
    %dma_wait3A_136 = tpu.memref_slice %arg4[%add3A_127] : memref<323584xi32, #tpu.memory_space<hbm>> -> memref<64xi32, #tpu.memory_space<hbm>>
    tpu.wait_dma2 semaphore(%arg17 : memref<!tpu.dma_semaphore, #tpu.memory_space<semaphore_mem>>) src(%dma_wait3A_136 : memref<64xi32, #tpu.memory_space<hbm>>) dst(%dma_wait3A_135 : memref<64xi32, #tpu.memory_space<vmem>>)
    %add3A_137 = arith.constant 0 : i32
    %add3A_138 = arith.addi %add3A_96, %add3A_137 : i32
    %dma_wait3A_139 = arith.constant 0 : i32
    %dma_wait3A_140 = arith.constant 0 : i32
    %dma_wait3A_141 = tpu.memref_slice %arg10[%dma_wait3A_139, %dma_wait3A_140] : memref<2x64xi32, #tpu.memory_space<vmem>> -> memref<1x64xi32, #tpu.memory_space<vmem>>
    %dma_wait3A_142 = tpu.memref_squeeze %dma_wait3A_141 : memref<1x64xi32, #tpu.memory_space<vmem>> -> memref<64xi32, #tpu.memory_space<vmem>>
    %dma_wait3A_143 = tpu.memref_slice %arg5[%add3A_138] : memref<323584xi32, #tpu.memory_space<hbm>> -> memref<64xi32, #tpu.memory_space<hbm>>
    %dma_wait3A_144 = arith.constant 0 : i32
    %dma_wait3A_145 = tpu.memref_slice %arg10[%dma_wait3A_139, %dma_wait3A_144] : memref<2x64xi32, #tpu.memory_space<vmem>> -> memref<1x64xi32, #tpu.memory_space<vmem>>
    %dma_wait3A_146 = tpu.memref_squeeze %dma_wait3A_145 : memref<1x64xi32, #tpu.memory_space<vmem>> -> memref<64xi32, #tpu.memory_space<vmem>>
    %dma_wait3A_147 = tpu.memref_slice %arg5[%add3A_138] : memref<323584xi32, #tpu.memory_space<hbm>> -> memref<64xi32, #tpu.memory_space<hbm>>
    tpu.wait_dma2 semaphore(%arg17 : memref<!tpu.dma_semaphore, #tpu.memory_space<semaphore_mem>>) src(%dma_wait3A_147 : memref<64xi32, #tpu.memory_space<hbm>>) dst(%dma_wait3A_146 : memref<64xi32, #tpu.memory_space<vmem>>)
    %get3A_148 = arith.constant 0 : i32
    %get3A_149 = arith.index_cast %get3A_148 : i32 to index
    %get3A_150 = arith.constant 0 : index
    %get3A_151 = tpu.vector_load %arg9[%get3A_149, %get3A_150] {strides = array<i32>} : memref<2x64xi32, #tpu.memory_space<vmem>>, vector<16xi32>,
    %get3A_152 = arith.constant 0 : i32
    %get3A_153 = arith.index_cast %get3A_152 : i32 to index
    %get3A_154 = arith.constant 0 : index
    %get3A_155 = tpu.vector_load %arg10[%get3A_153, %get3A_154] {strides = array<i32>} : memref<2x64xi32, #tpu.memory_space<vmem>>, vector<16xi32>,
    %iota3A = tpu.iota {dimensions = array<i32: 0>} : vector<16xi32>
    %add3A_156 = arith.constant 5000 : i32
    %add3A_157 = vector.broadcast %add3A_156 : i32 to vector<16xi32>
    %add3A_158 = arith.addi %iota3A, %add3A_157 : vector<16xi32>
    %eq3A = arith.cmpi eq, %get3A_151, %get3A_155 : vector<16xi32>
    %sub3A_159 = vector.broadcast %mul3A_98 : i32 to vector<16xi32>
    %sub3A_160 = arith.subi %get3A_151, %sub3A_159 : vector<16xi32>
    %select_n3A_161 = arith.select %eq3A, %add3A_158, %sub3A_160 : vector<16xi1>, vector<16xi32>
    %swap3A = arith.constant 0 : i32
    %swap3A_162 = arith.index_cast %swap3A : i32 to index
    %swap3A_163 = arith.constant 0 : index
    %swap3A_164 = tpu.vector_load %arg9[%swap3A_162, %swap3A_163] {strides = array<i32>} : memref<2x64xi32, #tpu.memory_space<vmem>>, vector<16xi32>,
    tpu.vector_store %arg9[%swap3A_162, %swap3A_163], %select_n3A_161 {strides = array<i32>} : memref<2x64xi32, #tpu.memory_space<vmem>>, vector<16xi32>,
    %get3A_165 = arith.constant 0 : i32
    %get3A_166 = arith.index_cast %get3A_165 : i32 to index
    %get3A_167 = arith.constant 16 : index
    %get3A_168 = tpu.vector_load %arg9[%get3A_166, %get3A_167] {strides = array<i32>} : memref<2x64xi32, #tpu.memory_space<vmem>>, vector<16xi32>,
    %get3A_169 = arith.constant 0 : i32
    %get3A_170 = arith.index_cast %get3A_169 : i32 to index
    %get3A_171 = arith.constant 16 : index
    %get3A_172 = tpu.vector_load %arg10[%get3A_170, %get3A_171] {strides = array<i32>} : memref<2x64xi32, #tpu.memory_space<vmem>>, vector<16xi32>,
    %iota3A_173 = tpu.iota {dimensions = array<i32: 0>} : vector<16xi32>
    %add3A_174 = arith.constant 5016 : i32
    %add3A_175 = vector.broadcast %add3A_174 : i32 to vector<16xi32>
    %add3A_176 = arith.addi %iota3A_173, %add3A_175 : vector<16xi32>
    %eq3A_177 = arith.cmpi eq, %get3A_168, %get3A_172 : vector<16xi32>
    %sub3A_178 = vector.broadcast %mul3A_98 : i32 to vector<16xi32>
    %sub3A_179 = arith.subi %get3A_168, %sub3A_178 : vector<16xi32>
    %select_n3A_180 = arith.select %eq3A_177, %add3A_176, %sub3A_179 : vector<16xi1>, vector<16xi32>
    %swap3A_181 = arith.constant 0 : i32
    %swap3A_182 = arith.index_cast %swap3A_181 : i32 to index
    %swap3A_183 = arith.constant 16 : index
    %swap3A_184 = tpu.vector_load %arg9[%swap3A_182, %swap3A_183] {strides = array<i32>} : memref<2x64xi32, #tpu.memory_space<vmem>>, vector<16xi32>,
    tpu.vector_store %arg9[%swap3A_182, %swap3A_183], %select_n3A_180 {strides = array<i32>} : memref<2x64xi32, #tpu.memory_space<vmem>>, vector<16xi32>,
    %get3A_185 = arith.constant 0 : i32
    %get3A_186 = arith.index_cast %get3A_185 : i32 to index
    %get3A_187 = arith.constant 32 : index
    %get3A_188 = tpu.vector_load %arg9[%get3A_186, %get3A_187] {strides = array<i32>} : memref<2x64xi32, #tpu.memory_space<vmem>>, vector<16xi32>,
    %get3A_189 = arith.constant 0 : i32
    %get3A_190 = arith.index_cast %get3A_189 : i32 to index
    %get3A_191 = arith.constant 32 : index
    %get3A_192 = tpu.vector_load %arg10[%get3A_190, %get3A_191] {strides = array<i32>} : memref<2x64xi32, #tpu.memory_space<vmem>>, vector<16xi32>,
    %iota3A_193 = tpu.iota {dimensions = array<i32: 0>} : vector<16xi32>
    %add3A_194 = arith.constant 5032 : i32
    %add3A_195 = vector.broadcast %add3A_194 : i32 to vector<16xi32>
    %add3A_196 = arith.addi %iota3A_193, %add3A_195 : vector<16xi32>
    %eq3A_197 = arith.cmpi eq, %get3A_188, %get3A_192 : vector<16xi32>
    %sub3A_198 = vector.broadcast %mul3A_98 : i32 to vector<16xi32>
    %sub3A_199 = arith.subi %get3A_188, %sub3A_198 : vector<16xi32>
    %select_n3A_200 = arith.select %eq3A_197, %add3A_196, %sub3A_199 : vector<16xi1>, vector<16xi32>
    %swap3A_201 = arith.constant 0 : i32
    %swap3A_202 = arith.index_cast %swap3A_201 : i32 to index
    %swap3A_203 = arith.constant 32 : index
    %swap3A_204 = tpu.vector_load %arg9[%swap3A_202, %swap3A_203] {strides = array<i32>} : memref<2x64xi32, #tpu.memory_space<vmem>>, vector<16xi32>,
    tpu.vector_store %arg9[%swap3A_202, %swap3A_203], %select_n3A_200 {strides = array<i32>} : memref<2x64xi32, #tpu.memory_space<vmem>>, vector<16xi32>,
    %get3A_205 = arith.constant 0 : i32
    %get3A_206 = arith.index_cast %get3A_205 : i32 to index
    %get3A_207 = arith.constant 48 : index
    %get3A_208 = tpu.vector_load %arg9[%get3A_206, %get3A_207] {strides = array<i32>} : memref<2x64xi32, #tpu.memory_space<vmem>>, vector<16xi32>,
    %get3A_209 = arith.constant 0 : i32
    %get3A_210 = arith.index_cast %get3A_209 : i32 to index
    %get3A_211 = arith.constant 48 : index
    %get3A_212 = tpu.vector_load %arg10[%get3A_210, %get3A_211] {strides = array<i32>} : memref<2x64xi32, #tpu.memory_space<vmem>>, vector<16xi32>,
    %iota3A_213 = tpu.iota {dimensions = array<i32: 0>} : vector<16xi32>
    %add3A_214 = arith.constant 5048 : i32
    %add3A_215 = vector.broadcast %add3A_214 : i32 to vector<16xi32>
    %add3A_216 = arith.addi %iota3A_213, %add3A_215 : vector<16xi32>
    %eq3A_217 = arith.cmpi eq, %get3A_208, %get3A_212 : vector<16xi32>
    %sub3A_218 = vector.broadcast %mul3A_98 : i32 to vector<16xi32>
    %sub3A_219 = arith.subi %get3A_208, %sub3A_218 : vector<16xi32>
    %select_n3A_220 = arith.select %eq3A_217, %add3A_216, %sub3A_219 : vector<16xi1>, vector<16xi32>
    %swap3A_221 = arith.constant 0 : i32
    %swap3A_222 = arith.index_cast %swap3A_221 : i32 to index
    %swap3A_223 = arith.constant 48 : index
    %swap3A_224 = tpu.vector_load %arg9[%swap3A_222, %swap3A_223] {strides = array<i32>} : memref<2x64xi32, #tpu.memory_space<vmem>>, vector<16xi32>,
    tpu.vector_store %arg9[%swap3A_222, %swap3A_223], %select_n3A_220 {strides = array<i32>} : memref<2x64xi32, #tpu.memory_space<vmem>>, vector<16xi32>,
    %dma_start3A_225 = arith.constant 0 : i32
    %dma_start3A_226 = arith.constant 0 : i32
    %dma_start3A_227 = arith.constant 0 : i32
    %dma_start3A_228 = arith.constant 0 : i32
    %dma_start3A_229 = arith.constant 0 : i32
    %dma_start3A_230 = tpu.memref_slice %arg11[%dma_start3A_226, %dma_start3A_227, %dma_start3A_228, %dma_start3A_229] : memref<2x64x2x128xf32, #tpu.memory_space<vmem>> -> memref<1x64x2x128xf32, #tpu.memory_space<vmem>>
    %dma_start3A_231 = tpu.memref_squeeze %dma_start3A_230 : memref<1x64x2x128xf32, #tpu.memory_space<vmem>> -> memref<64x2x128xf32, #tpu.memory_space<vmem>>
    %dma_start3A_232 = arith.constant 0 : i32
    %dma_start3A_233 = tpu.memref_slice %arg10[%dma_start3A_225, %dma_start3A_232] : memref<2x64xi32, #tpu.memory_space<vmem>> -> memref<1x64xi32, #tpu.memory_space<vmem>>
    %dma_start3A_234 = tpu.memref_squeeze %dma_start3A_233 : memref<1x64xi32, #tpu.memory_space<vmem>> -> memref<64xi32, #tpu.memory_space<vmem>>
    %dma_start3A_235 = arith.constant 0 : i32
    %dma_start3A_236 = arith.constant 0 : i32
    %dma_start3A_237 = arith.constant 0 : i32
    %dma_start3A_238 = tpu.memref_slice %arg2[%dma_start3A_235, %dma_start3A_236, %dma_start3A_237] : memref<10000x2x128xf32, #tpu.memory_space<hbm>> -> memref<10000x2x128xf32, #tpu.memory_space<hbm>>
    tpu.enqueue_indirect_dma source(%dma_start3A_238 : memref<10000x2x128xf32, #tpu.memory_space<hbm>>) target(%dma_start3A_231 : memref<64x2x128xf32, #tpu.memory_space<vmem>>) offsets(%dma_start3A_234 : memref<64xi32, #tpu.memory_space<vmem>>) semaphore(%arg13 : memref<!tpu.dma_semaphore, #tpu.memory_space<semaphore_mem>>)
    %add3A_239 = arith.constant 64 : i32
    %add3A_240 = arith.addi %add3A_96, %add3A_239 : i32
    %dma_start3A_241 = arith.constant 1 : i32
    %dma_start3A_242 = arith.constant 0 : i32
    %dma_start3A_243 = tpu.memref_slice %arg9[%dma_start3A_241, %dma_start3A_242] : memref<2x64xi32, #tpu.memory_space<vmem>> -> memref<1x64xi32, #tpu.memory_space<vmem>>
    %dma_start3A_244 = tpu.memref_squeeze %dma_start3A_243 : memref<1x64xi32, #tpu.memory_space<vmem>> -> memref<64xi32, #tpu.memory_space<vmem>>
    %dma_start3A_245 = tpu.memref_slice %arg4[%add3A_240] : memref<323584xi32, #tpu.memory_space<hbm>> -> memref<64xi32, #tpu.memory_space<hbm>>
    %dma_start3A_246 = arith.constant 0 : i32
    %dma_start3A_247 = tpu.memref_slice %arg9[%dma_start3A_241, %dma_start3A_246] : memref<2x64xi32, #tpu.memory_space<vmem>> -> memref<1x64xi32, #tpu.memory_space<vmem>>
    %dma_start3A_248 = tpu.memref_squeeze %dma_start3A_247 : memref<1x64xi32, #tpu.memory_space<vmem>> -> memref<64xi32, #tpu.memory_space<vmem>>
    %dma_start3A_249 = tpu.memref_slice %arg4[%add3A_240] : memref<323584xi32, #tpu.memory_space<hbm>> -> memref<64xi32, #tpu.memory_space<hbm>>
    tpu.enqueue_dma source(%dma_start3A_249 : memref<64xi32, #tpu.memory_space<hbm>>) target(%dma_start3A_248 : memref<64xi32, #tpu.memory_space<vmem>>) target_semaphore(%arg18 : memref<!tpu.dma_semaphore, #tpu.memory_space<semaphore_mem>>)
    %add3A_250 = arith.constant 64 : i32
    %add3A_251 = arith.addi %add3A_96, %add3A_250 : i32
    %dma_start3A_252 = arith.constant 1 : i32
    %dma_start3A_253 = arith.constant 0 : i32
    %dma_start3A_254 = tpu.memref_slice %arg10[%dma_start3A_252, %dma_start3A_253] : memref<2x64xi32, #tpu.memory_space<vmem>> -> memref<1x64xi32, #tpu.memory_space<vmem>>
    %dma_start3A_255 = tpu.memref_squeeze %dma_start3A_254 : memref<1x64xi32, #tpu.memory_space<vmem>> -> memref<64xi32, #tpu.memory_space<vmem>>
    %dma_start3A_256 = tpu.memref_slice %arg5[%add3A_251] : memref<323584xi32, #tpu.memory_space<hbm>> -> memref<64xi32, #tpu.memory_space<hbm>>
    %dma_start3A_257 = arith.constant 0 : i32
    %dma_start3A_258 = tpu.memref_slice %arg10[%dma_start3A_252, %dma_start3A_257] : memref<2x64xi32, #tpu.memory_space<vmem>> -> memref<1x64xi32, #tpu.memory_space<vmem>>
    %dma_start3A_259 = tpu.memref_squeeze %dma_start3A_258 : memref<1x64xi32, #tpu.memory_space<vmem>> -> memref<64xi32, #tpu.memory_space<vmem>>
    %dma_start3A_260 = tpu.memref_slice %arg5[%add3A_251] : memref<323584xi32, #tpu.memory_space<hbm>> -> memref<64xi32, #tpu.memory_space<hbm>>
    tpu.enqueue_dma source(%dma_start3A_260 : memref<64xi32, #tpu.memory_space<hbm>>) target(%dma_start3A_259 : memref<64xi32, #tpu.memory_space<vmem>>) target_semaphore(%arg18 : memref<!tpu.dma_semaphore, #tpu.memory_space<semaphore_mem>>)
    %add3A_261 = arith.constant 64 : i32
    %add3A_262 = arith.addi %add3A_96, %add3A_261 : i32
    %dma_wait3A_263 = arith.constant 1 : i32
    %dma_wait3A_264 = arith.constant 0 : i32
    %dma_wait3A_265 = tpu.memref_slice %arg9[%dma_wait3A_263, %dma_wait3A_264] : memref<2x64xi32, #tpu.memory_space<vmem>> -> memref<1x64xi32, #tpu.memory_space<vmem>>
    %dma_wait3A_266 = tpu.memref_squeeze %dma_wait3A_265 : memref<1x64xi32, #tpu.memory_space<vmem>> -> memref<64xi32, #tpu.memory_space<vmem>>
    %dma_wait3A_267 = tpu.memref_slice %arg4[%add3A_262] : memref<323584xi32, #tpu.memory_space<hbm>> -> memref<64xi32, #tpu.memory_space<hbm>>
    %dma_wait3A_268 = arith.constant 0 : i32
    %dma_wait3A_269 = tpu.memref_slice %arg9[%dma_wait3A_263, %dma_wait3A_268] : memref<2x64xi32, #tpu.memory_space<vmem>> -> memref<1x64xi32, #tpu.memory_space<vmem>>
    %dma_wait3A_270 = tpu.memref_squeeze %dma_wait3A_269 : memref<1x64xi32, #tpu.memory_space<vmem>> -> memref<64xi32, #tpu.memory_space<vmem>>
    %dma_wait3A_271 = tpu.memref_slice %arg4[%add3A_262] : memref<323584xi32, #tpu.memory_space<hbm>> -> memref<64xi32, #tpu.memory_space<hbm>>
    tpu.wait_dma2 semaphore(%arg18 : memref<!tpu.dma_semaphore, #tpu.memory_space<semaphore_mem>>) src(%dma_wait3A_271 : memref<64xi32, #tpu.memory_space<hbm>>) dst(%dma_wait3A_270 : memref<64xi32, #tpu.memory_space<vmem>>)
    %add3A_272 = arith.constant 64 : i32
    %add3A_273 = arith.addi %add3A_96, %add3A_272 : i32
    %dma_wait3A_274 = arith.constant 1 : i32
    %dma_wait3A_275 = arith.constant 0 : i32
    %dma_wait3A_276 = tpu.memref_slice %arg10[%dma_wait3A_274, %dma_wait3A_275] : memref<2x64xi32, #tpu.memory_space<vmem>> -> memref<1x64xi32, #tpu.memory_space<vmem>>
    %dma_wait3A_277 = tpu.memref_squeeze %dma_wait3A_276 : memref<1x64xi32, #tpu.memory_space<vmem>> -> memref<64xi32, #tpu.memory_space<vmem>>
    %dma_wait3A_278 = tpu.memref_slice %arg5[%add3A_273] : memref<323584xi32, #tpu.memory_space<hbm>> -> memref<64xi32, #tpu.memory_space<hbm>>
    %dma_wait3A_279 = arith.constant 0 : i32
    %dma_wait3A_280 = tpu.memref_slice %arg10[%dma_wait3A_274, %dma_wait3A_279] : memref<2x64xi32, #tpu.memory_space<vmem>> -> memref<1x64xi32, #tpu.memory_space<vmem>>
    %dma_wait3A_281 = tpu.memref_squeeze %dma_wait3A_280 : memref<1x64xi32, #tpu.memory_space<vmem>> -> memref<64xi32, #tpu.memory_space<vmem>>
    %dma_wait3A_282 = tpu.memref_slice %arg5[%add3A_273] : memref<323584xi32, #tpu.memory_space<hbm>> -> memref<64xi32, #tpu.memory_space<hbm>>
    tpu.wait_dma2 semaphore(%arg18 : memref<!tpu.dma_semaphore, #tpu.memory_space<semaphore_mem>>) src(%dma_wait3A_282 : memref<64xi32, #tpu.memory_space<hbm>>) dst(%dma_wait3A_281 : memref<64xi32, #tpu.memory_space<vmem>>)
    %get3A_283 = arith.constant 1 : i32
    %get3A_284 = arith.index_cast %get3A_283 : i32 to index
    %get3A_285 = arith.constant 0 : index
    %get3A_286 = tpu.vector_load %arg9[%get3A_284, %get3A_285] {strides = array<i32>} : memref<2x64xi32, #tpu.memory_space<vmem>>, vector<16xi32>,
    %get3A_287 = arith.constant 1 : i32
    %get3A_288 = arith.index_cast %get3A_287 : i32 to index
    %get3A_289 = arith.constant 0 : index
    %get3A_290 = tpu.vector_load %arg10[%get3A_288, %get3A_289] {strides = array<i32>} : memref<2x64xi32, #tpu.memory_space<vmem>>, vector<16xi32>,
    %iota3A_291 = tpu.iota {dimensions = array<i32: 0>} : vector<16xi32>
    %add3A_292 = arith.constant 5000 : i32
    %add3A_293 = vector.broadcast %add3A_292 : i32 to vector<16xi32>
    %add3A_294 = arith.addi %iota3A_291, %add3A_293 : vector<16xi32>
    %eq3A_295 = arith.cmpi eq, %get3A_286, %get3A_290 : vector<16xi32>
    %sub3A_296 = vector.broadcast %mul3A_98 : i32 to vector<16xi32>
    %sub3A_297 = arith.subi %get3A_286, %sub3A_296 : vector<16xi32>
    %select_n3A_298 = arith.select %eq3A_295, %add3A_294, %sub3A_297 : vector<16xi1>, vector<16xi32>
    %swap3A_299 = arith.constant 1 : i32
    %swap3A_300 = arith.index_cast %swap3A_299 : i32 to index
    %swap3A_301 = arith.constant 0 : index
    %swap3A_302 = tpu.vector_load %arg9[%swap3A_300, %swap3A_301] {strides = array<i32>} : memref<2x64xi32, #tpu.memory_space<vmem>>, vector<16xi32>,
    tpu.vector_store %arg9[%swap3A_300, %swap3A_301], %select_n3A_298 {strides = array<i32>} : memref<2x64xi32, #tpu.memory_space<vmem>>, vector<16xi32>,
    %get3A_303 = arith.constant 1 : i32
    %get3A_304 = arith.index_cast %get3A_303 : i32 to index
    %get3A_305 = arith.constant 16 : index
    %get3A_306 = tpu.vector_load %arg9[%get3A_304, %get3A_305] {strides = array<i32>} : memref<2x64xi32, #tpu.memory_space<vmem>>, vector<16xi32>,
    %get3A_307 = arith.constant 1 : i32
    %get3A_308 = arith.index_cast %get3A_307 : i32 to index
    %get3A_309 = arith.constant 16 : index
    %get3A_310 = tpu.vector_load %arg10[%get3A_308, %get3A_309] {strides = array<i32>} : memref<2x64xi32, #tpu.memory_space<vmem>>, vector<16xi32>,
    %iota3A_311 = tpu.iota {dimensions = array<i32: 0>} : vector<16xi32>
    %add3A_312 = arith.constant 5016 : i32
    %add3A_313 = vector.broadcast %add3A_312 : i32 to vector<16xi32>
    %add3A_314 = arith.addi %iota3A_311, %add3A_313 : vector<16xi32>
    %eq3A_315 = arith.cmpi eq, %get3A_306, %get3A_310 : vector<16xi32>
    %sub3A_316 = vector.broadcast %mul3A_98 : i32 to vector<16xi32>
    %sub3A_317 = arith.subi %get3A_306, %sub3A_316 : vector<16xi32>
    %select_n3A_318 = arith.select %eq3A_315, %add3A_314, %sub3A_317 : vector<16xi1>, vector<16xi32>
    %swap3A_319 = arith.constant 1 : i32
    %swap3A_320 = arith.index_cast %swap3A_319 : i32 to index
    %swap3A_321 = arith.constant 16 : index
    %swap3A_322 = tpu.vector_load %arg9[%swap3A_320, %swap3A_321] {strides = array<i32>} : memref<2x64xi32, #tpu.memory_space<vmem>>, vector<16xi32>,
    tpu.vector_store %arg9[%swap3A_320, %swap3A_321], %select_n3A_318 {strides = array<i32>} : memref<2x64xi32, #tpu.memory_space<vmem>>, vector<16xi32>,
    %get3A_323 = arith.constant 1 : i32
    %get3A_324 = arith.index_cast %get3A_323 : i32 to index
    %get3A_325 = arith.constant 32 : index
    %get3A_326 = tpu.vector_load %arg9[%get3A_324, %get3A_325] {strides = array<i32>} : memref<2x64xi32, #tpu.memory_space<vmem>>, vector<16xi32>,
    %get3A_327 = arith.constant 1 : i32
    %get3A_328 = arith.index_cast %get3A_327 : i32 to index
    %get3A_329 = arith.constant 32 : index
    %get3A_330 = tpu.vector_load %arg10[%get3A_328, %get3A_329] {strides = array<i32>} : memref<2x64xi32, #tpu.memory_space<vmem>>, vector<16xi32>,
    %iota3A_331 = tpu.iota {dimensions = array<i32: 0>} : vector<16xi32>
    %add3A_332 = arith.constant 5032 : i32
    %add3A_333 = vector.broadcast %add3A_332 : i32 to vector<16xi32>
    %add3A_334 = arith.addi %iota3A_331, %add3A_333 : vector<16xi32>
    %eq3A_335 = arith.cmpi eq, %get3A_326, %get3A_330 : vector<16xi32>
    %sub3A_336 = vector.broadcast %mul3A_98 : i32 to vector<16xi32>
    %sub3A_337 = arith.subi %get3A_326, %sub3A_336 : vector<16xi32>
    %select_n3A_338 = arith.select %eq3A_335, %add3A_334, %sub3A_337 : vector<16xi1>, vector<16xi32>
    %swap3A_339 = arith.constant 1 : i32
    %swap3A_340 = arith.index_cast %swap3A_339 : i32 to index
    %swap3A_341 = arith.constant 32 : index
    %swap3A_342 = tpu.vector_load %arg9[%swap3A_340, %swap3A_341] {strides = array<i32>} : memref<2x64xi32, #tpu.memory_space<vmem>>, vector<16xi32>,
    tpu.vector_store %arg9[%swap3A_340, %swap3A_341], %select_n3A_338 {strides = array<i32>} : memref<2x64xi32, #tpu.memory_space<vmem>>, vector<16xi32>,
    %get3A_343 = arith.constant 1 : i32
    %get3A_344 = arith.index_cast %get3A_343 : i32 to index
    %get3A_345 = arith.constant 48 : index
    %get3A_346 = tpu.vector_load %arg9[%get3A_344, %get3A_345] {strides = array<i32>} : memref<2x64xi32, #tpu.memory_space<vmem>>, vector<16xi32>,
    %get3A_347 = arith.constant 1 : i32
    %get3A_348 = arith.index_cast %get3A_347 : i32 to index
    %get3A_349 = arith.constant 48 : index
    %get3A_350 = tpu.vector_load %arg10[%get3A_348, %get3A_349] {strides = array<i32>} : memref<2x64xi32, #tpu.memory_space<vmem>>, vector<16xi32>,
    %iota3A_351 = tpu.iota {dimensions = array<i32: 0>} : vector<16xi32>
    %add3A_352 = arith.constant 5048 : i32
    %add3A_353 = vector.broadcast %add3A_352 : i32 to vector<16xi32>
    %add3A_354 = arith.addi %iota3A_351, %add3A_353 : vector<16xi32>
    %eq3A_355 = arith.cmpi eq, %get3A_346, %get3A_350 : vector<16xi32>
    %sub3A_356 = vector.broadcast %mul3A_98 : i32 to vector<16xi32>
    %sub3A_357 = arith.subi %get3A_346, %sub3A_356 : vector<16xi32>
    %select_n3A_358 = arith.select %eq3A_355, %add3A_354, %sub3A_357 : vector<16xi1>, vector<16xi32>
    %swap3A_359 = arith.constant 1 : i32
    %swap3A_360 = arith.index_cast %swap3A_359 : i32 to index
    %swap3A_361 = arith.constant 48 : index
    %swap3A_362 = tpu.vector_load %arg9[%swap3A_360, %swap3A_361] {strides = array<i32>} : memref<2x64xi32, #tpu.memory_space<vmem>>, vector<16xi32>,
    tpu.vector_store %arg9[%swap3A_360, %swap3A_361], %select_n3A_358 {strides = array<i32>} : memref<2x64xi32, #tpu.memory_space<vmem>>, vector<16xi32>,
    %dma_start3A_363 = arith.constant 1 : i32
    %dma_start3A_364 = arith.constant 1 : i32
    %dma_start3A_365 = arith.constant 0 : i32
    %dma_start3A_366 = arith.constant 0 : i32
    %dma_start3A_367 = arith.constant 0 : i32
    %dma_start3A_368 = tpu.memref_slice %arg11[%dma_start3A_364, %dma_start3A_365, %dma_start3A_366, %dma_start3A_367] : memref<2x64x2x128xf32, #tpu.memory_space<vmem>> -> memref<1x64x2x128xf32, #tpu.memory_space<vmem>>
    %dma_start3A_369 = tpu.memref_squeeze %dma_start3A_368 : memref<1x64x2x128xf32, #tpu.memory_space<vmem>> -> memref<64x2x128xf32, #tpu.memory_space<vmem>>
    %dma_start3A_370 = arith.constant 0 : i32
    %dma_start3A_371 = tpu.memref_slice %arg10[%dma_start3A_363, %dma_start3A_370] : memref<2x64xi32, #tpu.memory_space<vmem>> -> memref<1x64xi32, #tpu.memory_space<vmem>>
    %dma_start3A_372 = tpu.memref_squeeze %dma_start3A_371 : memref<1x64xi32, #tpu.memory_space<vmem>> -> memref<64xi32, #tpu.memory_space<vmem>>
    %dma_start3A_373 = arith.constant 0 : i32
    %dma_start3A_374 = arith.constant 0 : i32
    %dma_start3A_375 = arith.constant 0 : i32
    %dma_start3A_376 = tpu.memref_slice %arg2[%dma_start3A_373, %dma_start3A_374, %dma_start3A_375] : memref<10000x2x128xf32, #tpu.memory_space<hbm>> -> memref<10000x2x128xf32, #tpu.memory_space<hbm>>
    tpu.enqueue_indirect_dma source(%dma_start3A_376 : memref<10000x2x128xf32, #tpu.memory_space<hbm>>) target(%dma_start3A_369 : memref<64x2x128xf32, #tpu.memory_space<vmem>>) offsets(%dma_start3A_372 : memref<64xi32, #tpu.memory_space<vmem>>) semaphore(%arg14 : memref<!tpu.dma_semaphore, #tpu.memory_space<semaphore_mem>>)
    %sub3A_377 = arith.constant 1 : i32
    %sub3A_378 = arith.subi %select_n3A_90, %sub3A_377 : i32
    %sub3A_379 = arith.constant 0 : i32
    %sub3A_380 = arith.subi %sub3A_378, %sub3A_379 : i32
    %sub3A_381 = arith.constant 1 : i32
    %sub3A_382 = arith.constant 1 : i32
    %sub3A_383 = arith.subi %sub3A_381, %sub3A_382 : i32
    %add3A_384 = arith.addi %sub3A_380, %sub3A_383 : i32
    %div3A_385 = arith.constant 1 : i32
    %div3A_386 = arith.divsi %add3A_384, %div3A_385 : i32
    %while3A = arith.constant 1 : i32
    %while3A_387 = arith.constant 0 : i32
    %while3A_388 = arith.constant 0 : i32
    %while3A_389 = arith.subi %div3A_386, %while3A_388 : i32
    %while3A_390 = arith.addi %while3A_388, %while3A_389 : i32
    %while3A_391 = arith.constant 1 : i32
    %while3A_392 = arith.divsi %while3A_389, %while3A_391 : i32
    %while3A_393 = arith.muli %while3A_392, %while3A_391 : i32
    %while3A_394 = arith.addi %while3A_388, %while3A_393 : i32
    %while3A_395 = arith.constant 1 : i32
    scf.for %while3A_432 = %while3A_388 to %while3A_394 step %while3A_395  : i32 {
      %mul3A_433 = arith.muli %while3A_432, %while3A : i32
      %add3A_434 = arith.addi %while3A_387, %mul3A_433 : i32
      %mul3A_435 = arith.constant 2 : i32
      %mul3A_436 = arith.muli %add3A_434, %mul3A_435 : i32
      %add3A_437 = arith.constant 0 : i32
      %add3A_438 = arith.addi %mul3A_436, %add3A_437 : i32
      %dma_wait3A_439 = arith.constant 0 : i32
      %dma_wait3A_440 = arith.constant 0 : i32
      %dma_wait3A_441 = arith.constant 0 : i32
      %dma_wait3A_442 = arith.constant 0 : i32
      %dma_wait3A_443 = arith.constant 0 : i32
      %dma_wait3A_444 = tpu.memref_slice %arg11[%dma_wait3A_440, %dma_wait3A_441, %dma_wait3A_442, %dma_wait3A_443] : memref<2x64x2x128xf32, #tpu.memory_space<vmem>> -> memref<1x64x2x128xf32, #tpu.memory_space<vmem>>
      %dma_wait3A_445 = tpu.memref_squeeze %dma_wait3A_444 : memref<1x64x2x128xf32, #tpu.memory_space<vmem>> -> memref<64x2x128xf32, #tpu.memory_space<vmem>>
      %dma_wait3A_446 = arith.constant 0 : i32
      %dma_wait3A_447 = tpu.memref_slice %arg10[%dma_wait3A_439, %dma_wait3A_446] : memref<2x64xi32, #tpu.memory_space<vmem>> -> memref<1x64xi32, #tpu.memory_space<vmem>>
      %dma_wait3A_448 = tpu.memref_squeeze %dma_wait3A_447 : memref<1x64xi32, #tpu.memory_space<vmem>> -> memref<64xi32, #tpu.memory_space<vmem>>
      %dma_wait3A_449 = arith.constant 0 : i32
      %dma_wait3A_450 = arith.constant 0 : i32
      %dma_wait3A_451 = arith.constant 0 : i32
      %dma_wait3A_452 = tpu.memref_slice %arg2[%dma_wait3A_449, %dma_wait3A_450, %dma_wait3A_451] : memref<10000x2x128xf32, #tpu.memory_space<hbm>> -> memref<10000x2x128xf32, #tpu.memory_space<hbm>>
      tpu.wait_indirect_dma semaphore(%arg13 : memref<!tpu.dma_semaphore, #tpu.memory_space<semaphore_mem>>) src(%dma_wait3A_452 : memref<10000x2x128xf32, #tpu.memory_space<hbm>>) dst(%dma_wait3A_445 : memref<64x2x128xf32, #tpu.memory_space<vmem>>)
      %dma_start3A_453 = arith.constant 0 : i32
      %dma_start3A_454 = arith.constant 0 : i32
      %dma_start3A_455 = arith.constant 0 : i32
      %dma_start3A_456 = arith.constant 0 : i32
      %dma_start3A_457 = arith.constant 0 : i32
      %dma_start3A_458 = tpu.memref_slice %arg11[%dma_start3A_453, %dma_start3A_455, %dma_start3A_456, %dma_start3A_457] : memref<2x64x2x128xf32, #tpu.memory_space<vmem>> -> memref<1x64x2x128xf32, #tpu.memory_space<vmem>>
      %dma_start3A_459 = tpu.memref_squeeze %dma_start3A_458 : memref<1x64x2x128xf32, #tpu.memory_space<vmem>> -> memref<64x2x128xf32, #tpu.memory_space<vmem>>
      %dma_start3A_460 = arith.constant 0 : i32
      %dma_start3A_461 = tpu.memref_slice %arg9[%dma_start3A_454, %dma_start3A_460] : memref<2x64xi32, #tpu.memory_space<vmem>> -> memref<1x64xi32, #tpu.memory_space<vmem>>
      %dma_start3A_462 = tpu.memref_squeeze %dma_start3A_461 : memref<1x64xi32, #tpu.memory_space<vmem>> -> memref<64xi32, #tpu.memory_space<vmem>>
      %dma_start3A_463 = arith.constant 0 : i32
      %dma_start3A_464 = arith.constant 0 : i32
      %dma_start3A_465 = arith.constant 0 : i32
      %dma_start3A_466 = tpu.memref_slice %arg8[%dma_start3A_463, %dma_start3A_464, %dma_start3A_465] : memref<5632x2x128xf32, #tpu.memory_space<vmem_shared>> -> memref<5632x2x128xf32, #tpu.memory_space<vmem_shared>>
      tpu.enqueue_indirect_dma source(%dma_start3A_459 : memref<64x2x128xf32, #tpu.memory_space<vmem>>) target(%dma_start3A_466 : memref<5632x2x128xf32, #tpu.memory_space<vmem_shared>>) offsets(%dma_start3A_462 : memref<64xi32, #tpu.memory_space<vmem>>) semaphore(%arg15 : memref<!tpu.dma_semaphore, #tpu.memory_space<semaphore_mem>>) {add = true}
      %dma_wait3A_467 = arith.constant 0 : i32
      %dma_wait3A_468 = arith.constant 0 : i32
      %dma_wait3A_469 = arith.constant 0 : i32
      %dma_wait3A_470 = arith.constant 0 : i32
      %dma_wait3A_471 = arith.constant 0 : i32
      %dma_wait3A_472 = tpu.memref_slice %arg11[%dma_wait3A_467, %dma_wait3A_469, %dma_wait3A_470, %dma_wait3A_471] : memref<2x64x2x128xf32, #tpu.memory_space<vmem>> -> memref<1x64x2x128xf32, #tpu.memory_space<vmem>>
      %dma_wait3A_473 = tpu.memref_squeeze %dma_wait3A_472 : memref<1x64x2x128xf32, #tpu.memory_space<vmem>> -> memref<64x2x128xf32, #tpu.memory_space<vmem>>
      %dma_wait3A_474 = arith.constant 0 : i32
      %dma_wait3A_475 = tpu.memref_slice %arg9[%dma_wait3A_468, %dma_wait3A_474] : memref<2x64xi32, #tpu.memory_space<vmem>> -> memref<1x64xi32, #tpu.memory_space<vmem>>
      %dma_wait3A_476 = tpu.memref_squeeze %dma_wait3A_475 : memref<1x64xi32, #tpu.memory_space<vmem>> -> memref<64xi32, #tpu.memory_space<vmem>>
      %dma_wait3A_477 = arith.constant 0 : i32
      %dma_wait3A_478 = arith.constant 0 : i32
      %dma_wait3A_479 = arith.constant 0 : i32
      %dma_wait3A_480 = tpu.memref_slice %arg8[%dma_wait3A_477, %dma_wait3A_478, %dma_wait3A_479] : memref<5632x2x128xf32, #tpu.memory_space<vmem_shared>> -> memref<5632x2x128xf32, #tpu.memory_space<vmem_shared>>
      tpu.wait_indirect_dma semaphore(%arg15 : memref<!tpu.dma_semaphore, #tpu.memory_space<semaphore_mem>>) src(%dma_wait3A_473 : memref<64x2x128xf32, #tpu.memory_space<vmem>>) dst(%dma_wait3A_480 : memref<5632x2x128xf32, #tpu.memory_space<vmem_shared>>)
      %add3A_481 = arith.constant 2 : i32
      %add3A_482 = arith.addi %add3A_438, %add3A_481 : i32
      %mul3A_483 = arith.constant 64 : i32
      %mul3A_484 = arith.muli %add3A_482, %mul3A_483 : i32
      %add3A_485 = arith.addi %add3A_96, %mul3A_484 : i32
      %dma_start3A_486 = arith.constant 0 : i32
      %dma_start3A_487 = arith.constant 0 : i32
      %dma_start3A_488 = tpu.memref_slice %arg9[%dma_start3A_486, %dma_start3A_487] : memref<2x64xi32, #tpu.memory_space<vmem>> -> memref<1x64xi32, #tpu.memory_space<vmem>>
      %dma_start3A_489 = tpu.memref_squeeze %dma_start3A_488 : memref<1x64xi32, #tpu.memory_space<vmem>> -> memref<64xi32, #tpu.memory_space<vmem>>
      %dma_start3A_490 = tpu.memref_slice %arg4[%add3A_485] : memref<323584xi32, #tpu.memory_space<hbm>> -> memref<64xi32, #tpu.memory_space<hbm>>
      %dma_start3A_491 = arith.constant 0 : i32
      %dma_start3A_492 = tpu.memref_slice %arg9[%dma_start3A_486, %dma_start3A_491] : memref<2x64xi32, #tpu.memory_space<vmem>> -> memref<1x64xi32, #tpu.memory_space<vmem>>
      %dma_start3A_493 = tpu.memref_squeeze %dma_start3A_492 : memref<1x64xi32, #tpu.memory_space<vmem>> -> memref<64xi32, #tpu.memory_space<vmem>>
      %dma_start3A_494 = tpu.memref_slice %arg4[%add3A_485] : memref<323584xi32, #tpu.memory_space<hbm>> -> memref<64xi32, #tpu.memory_space<hbm>>
      tpu.enqueue_dma source(%dma_start3A_494 : memref<64xi32, #tpu.memory_space<hbm>>) target(%dma_start3A_493 : memref<64xi32, #tpu.memory_space<vmem>>) target_semaphore(%arg17 : memref<!tpu.dma_semaphore, #tpu.memory_space<semaphore_mem>>)
      %mul3A_495 = arith.constant 64 : i32
      %mul3A_496 = arith.muli %add3A_482, %mul3A_495 : i32
      %add3A_497 = arith.addi %add3A_96, %mul3A_496 : i32
      %dma_start3A_498 = arith.constant 0 : i32
      %dma_start3A_499 = arith.constant 0 : i32
      %dma_start3A_500 = tpu.memref_slice %arg10[%dma_start3A_498, %dma_start3A_499] : memref<2x64xi32, #tpu.memory_space<vmem>> -> memref<1x64xi32, #tpu.memory_space<vmem>>
      %dma_start3A_501 = tpu.memref_squeeze %dma_start3A_500 : memref<1x64xi32, #tpu.memory_space<vmem>> -> memref<64xi32, #tpu.memory_space<vmem>>
      %dma_start3A_502 = tpu.memref_slice %arg5[%add3A_497] : memref<323584xi32, #tpu.memory_space<hbm>> -> memref<64xi32, #tpu.memory_space<hbm>>
      %dma_start3A_503 = arith.constant 0 : i32
      %dma_start3A_504 = tpu.memref_slice %arg10[%dma_start3A_498, %dma_start3A_503] : memref<2x64xi32, #tpu.memory_space<vmem>> -> memref<1x64xi32, #tpu.memory_space<vmem>>
      %dma_start3A_505 = tpu.memref_squeeze %dma_start3A_504 : memref<1x64xi32, #tpu.memory_space<vmem>> -> memref<64xi32, #tpu.memory_space<vmem>>
      %dma_start3A_506 = tpu.memref_slice %arg5[%add3A_497] : memref<323584xi32, #tpu.memory_space<hbm>> -> memref<64xi32, #tpu.memory_space<hbm>>
      tpu.enqueue_dma source(%dma_start3A_506 : memref<64xi32, #tpu.memory_space<hbm>>) target(%dma_start3A_505 : memref<64xi32, #tpu.memory_space<vmem>>) target_semaphore(%arg17 : memref<!tpu.dma_semaphore, #tpu.memory_space<semaphore_mem>>)
      %add3A_507 = arith.constant 2 : i32
      %add3A_508 = arith.addi %add3A_438, %add3A_507 : i32
      %mul3A_509 = arith.constant 64 : i32
      %mul3A_510 = arith.muli %add3A_508, %mul3A_509 : i32
      %add3A_511 = arith.addi %add3A_96, %mul3A_510 : i32
      %dma_wait3A_512 = arith.constant 0 : i32
      %dma_wait3A_513 = arith.constant 0 : i32
      %dma_wait3A_514 = tpu.memref_slice %arg9[%dma_wait3A_512, %dma_wait3A_513] : memref<2x64xi32, #tpu.memory_space<vmem>> -> memref<1x64xi32, #tpu.memory_space<vmem>>
      %dma_wait3A_515 = tpu.memref_squeeze %dma_wait3A_514 : memref<1x64xi32, #tpu.memory_space<vmem>> -> memref<64xi32, #tpu.memory_space<vmem>>
      %dma_wait3A_516 = tpu.memref_slice %arg4[%add3A_511] : memref<323584xi32, #tpu.memory_space<hbm>> -> memref<64xi32, #tpu.memory_space<hbm>>
      %dma_wait3A_517 = arith.constant 0 : i32
      %dma_wait3A_518 = tpu.memref_slice %arg9[%dma_wait3A_512, %dma_wait3A_517] : memref<2x64xi32, #tpu.memory_space<vmem>> -> memref<1x64xi32, #tpu.memory_space<vmem>>
      %dma_wait3A_519 = tpu.memref_squeeze %dma_wait3A_518 : memref<1x64xi32, #tpu.memory_space<vmem>> -> memref<64xi32, #tpu.memory_space<vmem>>
      %dma_wait3A_520 = tpu.memref_slice %arg4[%add3A_511] : memref<323584xi32, #tpu.memory_space<hbm>> -> memref<64xi32, #tpu.memory_space<hbm>>
      tpu.wait_dma2 semaphore(%arg17 : memref<!tpu.dma_semaphore, #tpu.memory_space<semaphore_mem>>) src(%dma_wait3A_520 : memref<64xi32, #tpu.memory_space<hbm>>) dst(%dma_wait3A_519 : memref<64xi32, #tpu.memory_space<vmem>>)
      %mul3A_521 = arith.constant 64 : i32
      %mul3A_522 = arith.muli %add3A_508, %mul3A_521 : i32
      %add3A_523 = arith.addi %add3A_96, %mul3A_522 : i32
      %dma_wait3A_524 = arith.constant 0 : i32
      %dma_wait3A_525 = arith.constant 0 : i32
      %dma_wait3A_526 = tpu.memref_slice %arg10[%dma_wait3A_524, %dma_wait3A_525] : memref<2x64xi32, #tpu.memory_space<vmem>> -> memref<1x64xi32, #tpu.memory_space<vmem>>
      %dma_wait3A_527 = tpu.memref_squeeze %dma_wait3A_526 : memref<1x64xi32, #tpu.memory_space<vmem>> -> memref<64xi32, #tpu.memory_space<vmem>>
      %dma_wait3A_528 = tpu.memref_slice %arg5[%add3A_523] : memref<323584xi32, #tpu.memory_space<hbm>> -> memref<64xi32, #tpu.memory_space<hbm>>
      %dma_wait3A_529 = arith.constant 0 : i32
      %dma_wait3A_530 = tpu.memref_slice %arg10[%dma_wait3A_524, %dma_wait3A_529] : memref<2x64xi32, #tpu.memory_space<vmem>> -> memref<1x64xi32, #tpu.memory_space<vmem>>
      %dma_wait3A_531 = tpu.memref_squeeze %dma_wait3A_530 : memref<1x64xi32, #tpu.memory_space<vmem>> -> memref<64xi32, #tpu.memory_space<vmem>>
      %dma_wait3A_532 = tpu.memref_slice %arg5[%add3A_523] : memref<323584xi32, #tpu.memory_space<hbm>> -> memref<64xi32, #tpu.memory_space<hbm>>
      tpu.wait_dma2 semaphore(%arg17 : memref<!tpu.dma_semaphore, #tpu.memory_space<semaphore_mem>>) src(%dma_wait3A_532 : memref<64xi32, #tpu.memory_space<hbm>>) dst(%dma_wait3A_531 : memref<64xi32, #tpu.memory_space<vmem>>)
      %get3A_533 = arith.constant 0 : i32
      %get3A_534 = arith.index_cast %get3A_533 : i32 to index
      %get3A_535 = arith.constant 0 : index
      %get3A_536 = tpu.vector_load %arg9[%get3A_534, %get3A_535] {strides = array<i32>} : memref<2x64xi32, #tpu.memory_space<vmem>>, vector<16xi32>,
      %get3A_537 = arith.constant 0 : i32
      %get3A_538 = arith.index_cast %get3A_537 : i32 to index
      %get3A_539 = arith.constant 0 : index
      %get3A_540 = tpu.vector_load %arg10[%get3A_538, %get3A_539] {strides = array<i32>} : memref<2x64xi32, #tpu.memory_space<vmem>>, vector<16xi32>,
      %iota3A_541 = tpu.iota {dimensions = array<i32: 0>} : vector<16xi32>
      %add3A_542 = arith.constant 5000 : i32
      %add3A_543 = vector.broadcast %add3A_542 : i32 to vector<16xi32>
      %add3A_544 = arith.addi %iota3A_541, %add3A_543 : vector<16xi32>
      %eq3A_545 = arith.cmpi eq, %get3A_536, %get3A_540 : vector<16xi32>
      %sub3A_546 = vector.broadcast %mul3A_98 : i32 to vector<16xi32>
      %sub3A_547 = arith.subi %get3A_536, %sub3A_546 : vector<16xi32>
      %select_n3A_548 = arith.select %eq3A_545, %add3A_544, %sub3A_547 : vector<16xi1>, vector<16xi32>
      %swap3A_549 = arith.constant 0 : i32
      %swap3A_550 = arith.index_cast %swap3A_549 : i32 to index
      %swap3A_551 = arith.constant 0 : index
      %swap3A_552 = tpu.vector_load %arg9[%swap3A_550, %swap3A_551] {strides = array<i32>} : memref<2x64xi32, #tpu.memory_space<vmem>>, vector<16xi32>,
      tpu.vector_store %arg9[%swap3A_550, %swap3A_551], %select_n3A_548 {strides = array<i32>} : memref<2x64xi32, #tpu.memory_space<vmem>>, vector<16xi32>,
      %get3A_553 = arith.constant 0 : i32
      %get3A_554 = arith.index_cast %get3A_553 : i32 to index
      %get3A_555 = arith.constant 16 : index
      %get3A_556 = tpu.vector_load %arg9[%get3A_554, %get3A_555] {strides = array<i32>} : memref<2x64xi32, #tpu.memory_space<vmem>>, vector<16xi32>,
      %get3A_557 = arith.constant 0 : i32
      %get3A_558 = arith.index_cast %get3A_557 : i32 to index
      %get3A_559 = arith.constant 16 : index
      %get3A_560 = tpu.vector_load %arg10[%get3A_558, %get3A_559] {strides = array<i32>} : memref<2x64xi32, #tpu.memory_space<vmem>>, vector<16xi32>,
      %iota3A_561 = tpu.iota {dimensions = array<i32: 0>} : vector<16xi32>
      %add3A_562 = arith.constant 5016 : i32
      %add3A_563 = vector.broadcast %add3A_562 : i32 to vector<16xi32>
      %add3A_564 = arith.addi %iota3A_561, %add3A_563 : vector<16xi32>
      %eq3A_565 = arith.cmpi eq, %get3A_556, %get3A_560 : vector<16xi32>
      %sub3A_566 = vector.broadcast %mul3A_98 : i32 to vector<16xi32>
      %sub3A_567 = arith.subi %get3A_556, %sub3A_566 : vector<16xi32>
      %select_n3A_568 = arith.select %eq3A_565, %add3A_564, %sub3A_567 : vector<16xi1>, vector<16xi32>
      %swap3A_569 = arith.constant 0 : i32
      %swap3A_570 = arith.index_cast %swap3A_569 : i32 to index
      %swap3A_571 = arith.constant 16 : index
      %swap3A_572 = tpu.vector_load %arg9[%swap3A_570, %swap3A_571] {strides = array<i32>} : memref<2x64xi32, #tpu.memory_space<vmem>>, vector<16xi32>,
      tpu.vector_store %arg9[%swap3A_570, %swap3A_571], %select_n3A_568 {strides = array<i32>} : memref<2x64xi32, #tpu.memory_space<vmem>>, vector<16xi32>,
      %get3A_573 = arith.constant 0 : i32
      %get3A_574 = arith.index_cast %get3A_573 : i32 to index
      %get3A_575 = arith.constant 32 : index
      %get3A_576 = tpu.vector_load %arg9[%get3A_574, %get3A_575] {strides = array<i32>} : memref<2x64xi32, #tpu.memory_space<vmem>>, vector<16xi32>,
      %get3A_577 = arith.constant 0 : i32
      %get3A_578 = arith.index_cast %get3A_577 : i32 to index
      %get3A_579 = arith.constant 32 : index
      %get3A_580 = tpu.vector_load %arg10[%get3A_578, %get3A_579] {strides = array<i32>} : memref<2x64xi32, #tpu.memory_space<vmem>>, vector<16xi32>,
      %iota3A_581 = tpu.iota {dimensions = array<i32: 0>} : vector<16xi32>
      %add3A_582 = arith.constant 5032 : i32
      %add3A_583 = vector.broadcast %add3A_582 : i32 to vector<16xi32>
      %add3A_584 = arith.addi %iota3A_581, %add3A_583 : vector<16xi32>
      %eq3A_585 = arith.cmpi eq, %get3A_576, %get3A_580 : vector<16xi32>
      %sub3A_586 = vector.broadcast %mul3A_98 : i32 to vector<16xi32>
      %sub3A_587 = arith.subi %get3A_576, %sub3A_586 : vector<16xi32>
      %select_n3A_588 = arith.select %eq3A_585, %add3A_584, %sub3A_587 : vector<16xi1>, vector<16xi32>
      %swap3A_589 = arith.constant 0 : i32
      %swap3A_590 = arith.index_cast %swap3A_589 : i32 to index
      %swap3A_591 = arith.constant 32 : index
      %swap3A_592 = tpu.vector_load %arg9[%swap3A_590, %swap3A_591] {strides = array<i32>} : memref<2x64xi32, #tpu.memory_space<vmem>>, vector<16xi32>,
      tpu.vector_store %arg9[%swap3A_590, %swap3A_591], %select_n3A_588 {strides = array<i32>} : memref<2x64xi32, #tpu.memory_space<vmem>>, vector<16xi32>,
      %get3A_593 = arith.constant 0 : i32
      %get3A_594 = arith.index_cast %get3A_593 : i32 to index
      %get3A_595 = arith.constant 48 : index
      %get3A_596 = tpu.vector_load %arg9[%get3A_594, %get3A_595] {strides = array<i32>} : memref<2x64xi32, #tpu.memory_space<vmem>>, vector<16xi32>,
      %get3A_597 = arith.constant 0 : i32
      %get3A_598 = arith.index_cast %get3A_597 : i32 to index
      %get3A_599 = arith.constant 48 : index
      %get3A_600 = tpu.vector_load %arg10[%get3A_598, %get3A_599] {strides = array<i32>} : memref<2x64xi32, #tpu.memory_space<vmem>>, vector<16xi32>,
      %iota3A_601 = tpu.iota {dimensions = array<i32: 0>} : vector<16xi32>
      %add3A_602 = arith.constant 5048 : i32
      %add3A_603 = vector.broadcast %add3A_602 : i32 to vector<16xi32>
      %add3A_604 = arith.addi %iota3A_601, %add3A_603 : vector<16xi32>
      %eq3A_605 = arith.cmpi eq, %get3A_596, %get3A_600 : vector<16xi32>
      %sub3A_606 = vector.broadcast %mul3A_98 : i32 to vector<16xi32>
      %sub3A_607 = arith.subi %get3A_596, %sub3A_606 : vector<16xi32>
      %select_n3A_608 = arith.select %eq3A_605, %add3A_604, %sub3A_607 : vector<16xi1>, vector<16xi32>
      %swap3A_609 = arith.constant 0 : i32
      %swap3A_610 = arith.index_cast %swap3A_609 : i32 to index
      %swap3A_611 = arith.constant 48 : index
      %swap3A_612 = tpu.vector_load %arg9[%swap3A_610, %swap3A_611] {strides = array<i32>} : memref<2x64xi32, #tpu.memory_space<vmem>>, vector<16xi32>,
      tpu.vector_store %arg9[%swap3A_610, %swap3A_611], %select_n3A_608 {strides = array<i32>} : memref<2x64xi32, #tpu.memory_space<vmem>>, vector<16xi32>,
      %dma_start3A_613 = arith.constant 0 : i32
      %dma_start3A_614 = arith.constant 0 : i32
      %dma_start3A_615 = arith.constant 0 : i32
      %dma_start3A_616 = arith.constant 0 : i32
      %dma_start3A_617 = arith.constant 0 : i32
      %dma_start3A_618 = tpu.memref_slice %arg11[%dma_start3A_614, %dma_start3A_615, %dma_start3A_616, %dma_start3A_617] : memref<2x64x2x128xf32, #tpu.memory_space<vmem>> -> memref<1x64x2x128xf32, #tpu.memory_space<vmem>>
      %dma_start3A_619 = tpu.memref_squeeze %dma_start3A_618 : memref<1x64x2x128xf32, #tpu.memory_space<vmem>> -> memref<64x2x128xf32, #tpu.memory_space<vmem>>
      %dma_start3A_620 = arith.constant 0 : i32
      %dma_start3A_621 = tpu.memref_slice %arg10[%dma_start3A_613, %dma_start3A_620] : memref<2x64xi32, #tpu.memory_space<vmem>> -> memref<1x64xi32, #tpu.memory_space<vmem>>
      %dma_start3A_622 = tpu.memref_squeeze %dma_start3A_621 : memref<1x64xi32, #tpu.memory_space<vmem>> -> memref<64xi32, #tpu.memory_space<vmem>>
      %dma_start3A_623 = arith.constant 0 : i32
      %dma_start3A_624 = arith.constant 0 : i32
      %dma_start3A_625 = arith.constant 0 : i32
      %dma_start3A_626 = tpu.memref_slice %arg2[%dma_start3A_623, %dma_start3A_624, %dma_start3A_625] : memref<10000x2x128xf32, #tpu.memory_space<hbm>> -> memref<10000x2x128xf32, #tpu.memory_space<hbm>>
      tpu.enqueue_indirect_dma source(%dma_start3A_626 : memref<10000x2x128xf32, #tpu.memory_space<hbm>>) target(%dma_start3A_619 : memref<64x2x128xf32, #tpu.memory_space<vmem>>) offsets(%dma_start3A_622 : memref<64xi32, #tpu.memory_space<vmem>>) semaphore(%arg13 : memref<!tpu.dma_semaphore, #tpu.memory_space<semaphore_mem>>)
      %add3A_627 = arith.constant 1 : i32
      %add3A_628 = arith.addi %mul3A_436, %add3A_627 : i32
      %dma_wait3A_629 = arith.constant 1 : i32
      %dma_wait3A_630 = arith.constant 1 : i32
      %dma_wait3A_631 = arith.constant 0 : i32
      %dma_wait3A_632 = arith.constant 0 : i32
      %dma_wait3A_633 = arith.constant 0 : i32
      %dma_wait3A_634 = tpu.memref_slice %arg11[%dma_wait3A_630, %dma_wait3A_631, %dma_wait3A_632, %dma_wait3A_633] : memref<2x64x2x128xf32, #tpu.memory_space<vmem>> -> memref<1x64x2x128xf32, #tpu.memory_space<vmem>>
      %dma_wait3A_635 = tpu.memref_squeeze %dma_wait3A_634 : memref<1x64x2x128xf32, #tpu.memory_space<vmem>> -> memref<64x2x128xf32, #tpu.memory_space<vmem>>
      %dma_wait3A_636 = arith.constant 0 : i32
      %dma_wait3A_637 = tpu.memref_slice %arg10[%dma_wait3A_629, %dma_wait3A_636] : memref<2x64xi32, #tpu.memory_space<vmem>> -> memref<1x64xi32, #tpu.memory_space<vmem>>
      %dma_wait3A_638 = tpu.memref_squeeze %dma_wait3A_637 : memref<1x64xi32, #tpu.memory_space<vmem>> -> memref<64xi32, #tpu.memory_space<vmem>>
      %dma_wait3A_639 = arith.constant 0 : i32
      %dma_wait3A_640 = arith.constant 0 : i32
      %dma_wait3A_641 = arith.constant 0 : i32
      %dma_wait3A_642 = tpu.memref_slice %arg2[%dma_wait3A_639, %dma_wait3A_640, %dma_wait3A_641] : memref<10000x2x128xf32, #tpu.memory_space<hbm>> -> memref<10000x2x128xf32, #tpu.memory_space<hbm>>
      tpu.wait_indirect_dma semaphore(%arg14 : memref<!tpu.dma_semaphore, #tpu.memory_space<semaphore_mem>>) src(%dma_wait3A_642 : memref<10000x2x128xf32, #tpu.memory_space<hbm>>) dst(%dma_wait3A_635 : memref<64x2x128xf32, #tpu.memory_space<vmem>>)
      %dma_start3A_643 = arith.constant 1 : i32
      %dma_start3A_644 = arith.constant 1 : i32
      %dma_start3A_645 = arith.constant 0 : i32
      %dma_start3A_646 = arith.constant 0 : i32
      %dma_start3A_647 = arith.constant 0 : i32
      %dma_start3A_648 = tpu.memref_slice %arg11[%dma_start3A_643, %dma_start3A_645, %dma_start3A_646, %dma_start3A_647] : memref<2x64x2x128xf32, #tpu.memory_space<vmem>> -> memref<1x64x2x128xf32, #tpu.memory_space<vmem>>
      %dma_start3A_649 = tpu.memref_squeeze %dma_start3A_648 : memref<1x64x2x128xf32, #tpu.memory_space<vmem>> -> memref<64x2x128xf32, #tpu.memory_space<vmem>>
      %dma_start3A_650 = arith.constant 0 : i32
      %dma_start3A_651 = tpu.memref_slice %arg9[%dma_start3A_644, %dma_start3A_650] : memref<2x64xi32, #tpu.memory_space<vmem>> -> memref<1x64xi32, #tpu.memory_space<vmem>>
      %dma_start3A_652 = tpu.memref_squeeze %dma_start3A_651 : memref<1x64xi32, #tpu.memory_space<vmem>> -> memref<64xi32, #tpu.memory_space<vmem>>
      %dma_start3A_653 = arith.constant 0 : i32
      %dma_start3A_654 = arith.constant 0 : i32
      %dma_start3A_655 = arith.constant 0 : i32
      %dma_start3A_656 = tpu.memref_slice %arg8[%dma_start3A_653, %dma_start3A_654, %dma_start3A_655] : memref<5632x2x128xf32, #tpu.memory_space<vmem_shared>> -> memref<5632x2x128xf32, #tpu.memory_space<vmem_shared>>
      tpu.enqueue_indirect_dma source(%dma_start3A_649 : memref<64x2x128xf32, #tpu.memory_space<vmem>>) target(%dma_start3A_656 : memref<5632x2x128xf32, #tpu.memory_space<vmem_shared>>) offsets(%dma_start3A_652 : memref<64xi32, #tpu.memory_space<vmem>>) semaphore(%arg16 : memref<!tpu.dma_semaphore, #tpu.memory_space<semaphore_mem>>) {add = true}
      %dma_wait3A_657 = arith.constant 1 : i32
      %dma_wait3A_658 = arith.constant 1 : i32
      %dma_wait3A_659 = arith.constant 0 : i32
      %dma_wait3A_660 = arith.constant 0 : i32
      %dma_wait3A_661 = arith.constant 0 : i32
      %dma_wait3A_662 = tpu.memref_slice %arg11[%dma_wait3A_657, %dma_wait3A_659, %dma_wait3A_660, %dma_wait3A_661] : memref<2x64x2x128xf32, #tpu.memory_space<vmem>> -> memref<1x64x2x128xf32, #tpu.memory_space<vmem>>
      %dma_wait3A_663 = tpu.memref_squeeze %dma_wait3A_662 : memref<1x64x2x128xf32, #tpu.memory_space<vmem>> -> memref<64x2x128xf32, #tpu.memory_space<vmem>>
      %dma_wait3A_664 = arith.constant 0 : i32
      %dma_wait3A_665 = tpu.memref_slice %arg9[%dma_wait3A_658, %dma_wait3A_664] : memref<2x64xi32, #tpu.memory_space<vmem>> -> memref<1x64xi32, #tpu.memory_space<vmem>>
      %dma_wait3A_666 = tpu.memref_squeeze %dma_wait3A_665 : memref<1x64xi32, #tpu.memory_space<vmem>> -> memref<64xi32, #tpu.memory_space<vmem>>
      %dma_wait3A_667 = arith.constant 0 : i32
      %dma_wait3A_668 = arith.constant 0 : i32
      %dma_wait3A_669 = arith.constant 0 : i32
      %dma_wait3A_670 = tpu.memref_slice %arg8[%dma_wait3A_667, %dma_wait3A_668, %dma_wait3A_669] : memref<5632x2x128xf32, #tpu.memory_space<vmem_shared>> -> memref<5632x2x128xf32, #tpu.memory_space<vmem_shared>>
      tpu.wait_indirect_dma semaphore(%arg16 : memref<!tpu.dma_semaphore, #tpu.memory_space<semaphore_mem>>) src(%dma_wait3A_663 : memref<64x2x128xf32, #tpu.memory_space<vmem>>) dst(%dma_wait3A_670 : memref<5632x2x128xf32, #tpu.memory_space<vmem_shared>>)
      %add3A_671 = arith.constant 2 : i32
      %add3A_672 = arith.addi %add3A_628, %add3A_671 : i32
      %mul3A_673 = arith.constant 64 : i32
      %mul3A_674 = arith.muli %add3A_672, %mul3A_673 : i32
      %add3A_675 = arith.addi %add3A_96, %mul3A_674 : i32
      %dma_start3A_676 = arith.constant 1 : i32
      %dma_start3A_677 = arith.constant 0 : i32
      %dma_start3A_678 = tpu.memref_slice %arg9[%dma_start3A_676, %dma_start3A_677] : memref<2x64xi32, #tpu.memory_space<vmem>> -> memref<1x64xi32, #tpu.memory_space<vmem>>
      %dma_start3A_679 = tpu.memref_squeeze %dma_start3A_678 : memref<1x64xi32, #tpu.memory_space<vmem>> -> memref<64xi32, #tpu.memory_space<vmem>>
      %dma_start3A_680 = tpu.memref_slice %arg4[%add3A_675] : memref<323584xi32, #tpu.memory_space<hbm>> -> memref<64xi32, #tpu.memory_space<hbm>>
      %dma_start3A_681 = arith.constant 0 : i32
      %dma_start3A_682 = tpu.memref_slice %arg9[%dma_start3A_676, %dma_start3A_681] : memref<2x64xi32, #tpu.memory_space<vmem>> -> memref<1x64xi32, #tpu.memory_space<vmem>>
      %dma_start3A_683 = tpu.memref_squeeze %dma_start3A_682 : memref<1x64xi32, #tpu.memory_space<vmem>> -> memref<64xi32, #tpu.memory_space<vmem>>
      %dma_start3A_684 = tpu.memref_slice %arg4[%add3A_675] : memref<323584xi32, #tpu.memory_space<hbm>> -> memref<64xi32, #tpu.memory_space<hbm>>
      tpu.enqueue_dma source(%dma_start3A_684 : memref<64xi32, #tpu.memory_space<hbm>>) target(%dma_start3A_683 : memref<64xi32, #tpu.memory_space<vmem>>) target_semaphore(%arg18 : memref<!tpu.dma_semaphore, #tpu.memory_space<semaphore_mem>>)
      %mul3A_685 = arith.constant 64 : i32
      %mul3A_686 = arith.muli %add3A_672, %mul3A_685 : i32
      %add3A_687 = arith.addi %add3A_96, %mul3A_686 : i32
      %dma_start3A_688 = arith.constant 1 : i32
      %dma_start3A_689 = arith.constant 0 : i32
      %dma_start3A_690 = tpu.memref_slice %arg10[%dma_start3A_688, %dma_start3A_689] : memref<2x64xi32, #tpu.memory_space<vmem>> -> memref<1x64xi32, #tpu.memory_space<vmem>>
      %dma_start3A_691 = tpu.memref_squeeze %dma_start3A_690 : memref<1x64xi32, #tpu.memory_space<vmem>> -> memref<64xi32, #tpu.memory_space<vmem>>
      %dma_start3A_692 = tpu.memref_slice %arg5[%add3A_687] : memref<323584xi32, #tpu.memory_space<hbm>> -> memref<64xi32, #tpu.memory_space<hbm>>
      %dma_start3A_693 = arith.constant 0 : i32
      %dma_start3A_694 = tpu.memref_slice %arg10[%dma_start3A_688, %dma_start3A_693] : memref<2x64xi32, #tpu.memory_space<vmem>> -> memref<1x64xi32, #tpu.memory_space<vmem>>
      %dma_start3A_695 = tpu.memref_squeeze %dma_start3A_694 : memref<1x64xi32, #tpu.memory_space<vmem>> -> memref<64xi32, #tpu.memory_space<vmem>>
      %dma_start3A_696 = tpu.memref_slice %arg5[%add3A_687] : memref<323584xi32, #tpu.memory_space<hbm>> -> memref<64xi32, #tpu.memory_space<hbm>>
      tpu.enqueue_dma source(%dma_start3A_696 : memref<64xi32, #tpu.memory_space<hbm>>) target(%dma_start3A_695 : memref<64xi32, #tpu.memory_space<vmem>>) target_semaphore(%arg18 : memref<!tpu.dma_semaphore, #tpu.memory_space<semaphore_mem>>)
      %add3A_697 = arith.constant 2 : i32
      %add3A_698 = arith.addi %add3A_628, %add3A_697 : i32
      %mul3A_699 = arith.constant 64 : i32
      %mul3A_700 = arith.muli %add3A_698, %mul3A_699 : i32
      %add3A_701 = arith.addi %add3A_96, %mul3A_700 : i32
      %dma_wait3A_702 = arith.constant 1 : i32
      %dma_wait3A_703 = arith.constant 0 : i32
      %dma_wait3A_704 = tpu.memref_slice %arg9[%dma_wait3A_702, %dma_wait3A_703] : memref<2x64xi32, #tpu.memory_space<vmem>> -> memref<1x64xi32, #tpu.memory_space<vmem>>
      %dma_wait3A_705 = tpu.memref_squeeze %dma_wait3A_704 : memref<1x64xi32, #tpu.memory_space<vmem>> -> memref<64xi32, #tpu.memory_space<vmem>>
      %dma_wait3A_706 = tpu.memref_slice %arg4[%add3A_701] : memref<323584xi32, #tpu.memory_space<hbm>> -> memref<64xi32, #tpu.memory_space<hbm>>
      %dma_wait3A_707 = arith.constant 0 : i32
      %dma_wait3A_708 = tpu.memref_slice %arg9[%dma_wait3A_702, %dma_wait3A_707] : memref<2x64xi32, #tpu.memory_space<vmem>> -> memref<1x64xi32, #tpu.memory_space<vmem>>
      %dma_wait3A_709 = tpu.memref_squeeze %dma_wait3A_708 : memref<1x64xi32, #tpu.memory_space<vmem>> -> memref<64xi32, #tpu.memory_space<vmem>>
      %dma_wait3A_710 = tpu.memref_slice %arg4[%add3A_701] : memref<323584xi32, #tpu.memory_space<hbm>> -> memref<64xi32, #tpu.memory_space<hbm>>
      tpu.wait_dma2 semaphore(%arg18 : memref<!tpu.dma_semaphore, #tpu.memory_space<semaphore_mem>>) src(%dma_wait3A_710 : memref<64xi32, #tpu.memory_space<hbm>>) dst(%dma_wait3A_709 : memref<64xi32, #tpu.memory_space<vmem>>)
      %mul3A_711 = arith.constant 64 : i32
      %mul3A_712 = arith.muli %add3A_698, %mul3A_711 : i32
      %add3A_713 = arith.addi %add3A_96, %mul3A_712 : i32
      %dma_wait3A_714 = arith.constant 1 : i32
      %dma_wait3A_715 = arith.constant 0 : i32
      %dma_wait3A_716 = tpu.memref_slice %arg10[%dma_wait3A_714, %dma_wait3A_715] : memref<2x64xi32, #tpu.memory_space<vmem>> -> memref<1x64xi32, #tpu.memory_space<vmem>>
      %dma_wait3A_717 = tpu.memref_squeeze %dma_wait3A_716 : memref<1x64xi32, #tpu.memory_space<vmem>> -> memref<64xi32, #tpu.memory_space<vmem>>
      %dma_wait3A_718 = tpu.memref_slice %arg5[%add3A_713] : memref<323584xi32, #tpu.memory_space<hbm>> -> memref<64xi32, #tpu.memory_space<hbm>>
      %dma_wait3A_719 = arith.constant 0 : i32
      %dma_wait3A_720 = tpu.memref_slice %arg10[%dma_wait3A_714, %dma_wait3A_719] : memref<2x64xi32, #tpu.memory_space<vmem>> -> memref<1x64xi32, #tpu.memory_space<vmem>>
      %dma_wait3A_721 = tpu.memref_squeeze %dma_wait3A_720 : memref<1x64xi32, #tpu.memory_space<vmem>> -> memref<64xi32, #tpu.memory_space<vmem>>
      %dma_wait3A_722 = tpu.memref_slice %arg5[%add3A_713] : memref<323584xi32, #tpu.memory_space<hbm>> -> memref<64xi32, #tpu.memory_space<hbm>>
      tpu.wait_dma2 semaphore(%arg18 : memref<!tpu.dma_semaphore, #tpu.memory_space<semaphore_mem>>) src(%dma_wait3A_722 : memref<64xi32, #tpu.memory_space<hbm>>) dst(%dma_wait3A_721 : memref<64xi32, #tpu.memory_space<vmem>>)
      %get3A_723 = arith.constant 1 : i32
      %get3A_724 = arith.index_cast %get3A_723 : i32 to index
      %get3A_725 = arith.constant 0 : index
      %get3A_726 = tpu.vector_load %arg9[%get3A_724, %get3A_725] {strides = array<i32>} : memref<2x64xi32, #tpu.memory_space<vmem>>, vector<16xi32>,
      %get3A_727 = arith.constant 1 : i32
      %get3A_728 = arith.index_cast %get3A_727 : i32 to index
      %get3A_729 = arith.constant 0 : index
      %get3A_730 = tpu.vector_load %arg10[%get3A_728, %get3A_729] {strides = array<i32>} : memref<2x64xi32, #tpu.memory_space<vmem>>, vector<16xi32>,
      %iota3A_731 = tpu.iota {dimensions = array<i32: 0>} : vector<16xi32>
      %add3A_732 = arith.constant 5000 : i32
      %add3A_733 = vector.broadcast %add3A_732 : i32 to vector<16xi32>
      %add3A_734 = arith.addi %iota3A_731, %add3A_733 : vector<16xi32>
      %eq3A_735 = arith.cmpi eq, %get3A_726, %get3A_730 : vector<16xi32>
      %sub3A_736 = vector.broadcast %mul3A_98 : i32 to vector<16xi32>
      %sub3A_737 = arith.subi %get3A_726, %sub3A_736 : vector<16xi32>
      %select_n3A_738 = arith.select %eq3A_735, %add3A_734, %sub3A_737 : vector<16xi1>, vector<16xi32>
      %swap3A_739 = arith.constant 1 : i32
      %swap3A_740 = arith.index_cast %swap3A_739 : i32 to index
      %swap3A_741 = arith.constant 0 : index
      %swap3A_742 = tpu.vector_load %arg9[%swap3A_740, %swap3A_741] {strides = array<i32>} : memref<2x64xi32, #tpu.memory_space<vmem>>, vector<16xi32>,
      tpu.vector_store %arg9[%swap3A_740, %swap3A_741], %select_n3A_738 {strides = array<i32>} : memref<2x64xi32, #tpu.memory_space<vmem>>, vector<16xi32>,
      %get3A_743 = arith.constant 1 : i32
      %get3A_744 = arith.index_cast %get3A_743 : i32 to index
      %get3A_745 = arith.constant 16 : index
      %get3A_746 = tpu.vector_load %arg9[%get3A_744, %get3A_745] {strides = array<i32>} : memref<2x64xi32, #tpu.memory_space<vmem>>, vector<16xi32>,
      %get3A_747 = arith.constant 1 : i32
      %get3A_748 = arith.index_cast %get3A_747 : i32 to index
      %get3A_749 = arith.constant 16 : index
      %get3A_750 = tpu.vector_load %arg10[%get3A_748, %get3A_749] {strides = array<i32>} : memref<2x64xi32, #tpu.memory_space<vmem>>, vector<16xi32>,
      %iota3A_751 = tpu.iota {dimensions = array<i32: 0>} : vector<16xi32>
      %add3A_752 = arith.constant 5016 : i32
      %add3A_753 = vector.broadcast %add3A_752 : i32 to vector<16xi32>
      %add3A_754 = arith.addi %iota3A_751, %add3A_753 : vector<16xi32>
      %eq3A_755 = arith.cmpi eq, %get3A_746, %get3A_750 : vector<16xi32>
      %sub3A_756 = vector.broadcast %mul3A_98 : i32 to vector<16xi32>
      %sub3A_757 = arith.subi %get3A_746, %sub3A_756 : vector<16xi32>
      %select_n3A_758 = arith.select %eq3A_755, %add3A_754, %sub3A_757 : vector<16xi1>, vector<16xi32>
      %swap3A_759 = arith.constant 1 : i32
      %swap3A_760 = arith.index_cast %swap3A_759 : i32 to index
      %swap3A_761 = arith.constant 16 : index
      %swap3A_762 = tpu.vector_load %arg9[%swap3A_760, %swap3A_761] {strides = array<i32>} : memref<2x64xi32, #tpu.memory_space<vmem>>, vector<16xi32>,
      tpu.vector_store %arg9[%swap3A_760, %swap3A_761], %select_n3A_758 {strides = array<i32>} : memref<2x64xi32, #tpu.memory_space<vmem>>, vector<16xi32>,
      %get3A_763 = arith.constant 1 : i32
      %get3A_764 = arith.index_cast %get3A_763 : i32 to index
      %get3A_765 = arith.constant 32 : index
      %get3A_766 = tpu.vector_load %arg9[%get3A_764, %get3A_765] {strides = array<i32>} : memref<2x64xi32, #tpu.memory_space<vmem>>, vector<16xi32>,
      %get3A_767 = arith.constant 1 : i32
      %get3A_768 = arith.index_cast %get3A_767 : i32 to index
      %get3A_769 = arith.constant 32 : index
      %get3A_770 = tpu.vector_load %arg10[%get3A_768, %get3A_769] {strides = array<i32>} : memref<2x64xi32, #tpu.memory_space<vmem>>, vector<16xi32>,
      %iota3A_771 = tpu.iota {dimensions = array<i32: 0>} : vector<16xi32>
      %add3A_772 = arith.constant 5032 : i32
      %add3A_773 = vector.broadcast %add3A_772 : i32 to vector<16xi32>
      %add3A_774 = arith.addi %iota3A_771, %add3A_773 : vector<16xi32>
      %eq3A_775 = arith.cmpi eq, %get3A_766, %get3A_770 : vector<16xi32>
      %sub3A_776 = vector.broadcast %mul3A_98 : i32 to vector<16xi32>
      %sub3A_777 = arith.subi %get3A_766, %sub3A_776 : vector<16xi32>
      %select_n3A_778 = arith.select %eq3A_775, %add3A_774, %sub3A_777 : vector<16xi1>, vector<16xi32>
      %swap3A_779 = arith.constant 1 : i32
      %swap3A_780 = arith.index_cast %swap3A_779 : i32 to index
      %swap3A_781 = arith.constant 32 : index
      %swap3A_782 = tpu.vector_load %arg9[%swap3A_780, %swap3A_781] {strides = array<i32>} : memref<2x64xi32, #tpu.memory_space<vmem>>, vector<16xi32>,
      tpu.vector_store %arg9[%swap3A_780, %swap3A_781], %select_n3A_778 {strides = array<i32>} : memref<2x64xi32, #tpu.memory_space<vmem>>, vector<16xi32>,
      %get3A_783 = arith.constant 1 : i32
      %get3A_784 = arith.index_cast %get3A_783 : i32 to index
      %get3A_785 = arith.constant 48 : index
      %get3A_786 = tpu.vector_load %arg9[%get3A_784, %get3A_785] {strides = array<i32>} : memref<2x64xi32, #tpu.memory_space<vmem>>, vector<16xi32>,
      %get3A_787 = arith.constant 1 : i32
      %get3A_788 = arith.index_cast %get3A_787 : i32 to index
      %get3A_789 = arith.constant 48 : index
      %get3A_790 = tpu.vector_load %arg10[%get3A_788, %get3A_789] {strides = array<i32>} : memref<2x64xi32, #tpu.memory_space<vmem>>, vector<16xi32>,
      %iota3A_791 = tpu.iota {dimensions = array<i32: 0>} : vector<16xi32>
      %add3A_792 = arith.constant 5048 : i32
      %add3A_793 = vector.broadcast %add3A_792 : i32 to vector<16xi32>
      %add3A_794 = arith.addi %iota3A_791, %add3A_793 : vector<16xi32>
      %eq3A_795 = arith.cmpi eq, %get3A_786, %get3A_790 : vector<16xi32>
      %sub3A_796 = vector.broadcast %mul3A_98 : i32 to vector<16xi32>
      %sub3A_797 = arith.subi %get3A_786, %sub3A_796 : vector<16xi32>
      %select_n3A_798 = arith.select %eq3A_795, %add3A_794, %sub3A_797 : vector<16xi1>, vector<16xi32>
      %swap3A_799 = arith.constant 1 : i32
      %swap3A_800 = arith.index_cast %swap3A_799 : i32 to index
      %swap3A_801 = arith.constant 48 : index
      %swap3A_802 = tpu.vector_load %arg9[%swap3A_800, %swap3A_801] {strides = array<i32>} : memref<2x64xi32, #tpu.memory_space<vmem>>, vector<16xi32>,
      tpu.vector_store %arg9[%swap3A_800, %swap3A_801], %select_n3A_798 {strides = array<i32>} : memref<2x64xi32, #tpu.memory_space<vmem>>, vector<16xi32>,
      %dma_start3A_803 = arith.constant 1 : i32
      %dma_start3A_804 = arith.constant 1 : i32
      %dma_start3A_805 = arith.constant 0 : i32
      %dma_start3A_806 = arith.constant 0 : i32
      %dma_start3A_807 = arith.constant 0 : i32
      %dma_start3A_808 = tpu.memref_slice %arg11[%dma_start3A_804, %dma_start3A_805, %dma_start3A_806, %dma_start3A_807] : memref<2x64x2x128xf32, #tpu.memory_space<vmem>> -> memref<1x64x2x128xf32, #tpu.memory_space<vmem>>
      %dma_start3A_809 = tpu.memref_squeeze %dma_start3A_808 : memref<1x64x2x128xf32, #tpu.memory_space<vmem>> -> memref<64x2x128xf32, #tpu.memory_space<vmem>>
      %dma_start3A_810 = arith.constant 0 : i32
      %dma_start3A_811 = tpu.memref_slice %arg10[%dma_start3A_803, %dma_start3A_810] : memref<2x64xi32, #tpu.memory_space<vmem>> -> memref<1x64xi32, #tpu.memory_space<vmem>>
      %dma_start3A_812 = tpu.memref_squeeze %dma_start3A_811 : memref<1x64xi32, #tpu.memory_space<vmem>> -> memref<64xi32, #tpu.memory_space<vmem>>
      %dma_start3A_813 = arith.constant 0 : i32
      %dma_start3A_814 = arith.constant 0 : i32
      %dma_start3A_815 = arith.constant 0 : i32
      %dma_start3A_816 = tpu.memref_slice %arg2[%dma_start3A_813, %dma_start3A_814, %dma_start3A_815] : memref<10000x2x128xf32, #tpu.memory_space<hbm>> -> memref<10000x2x128xf32, #tpu.memory_space<hbm>>
      tpu.enqueue_indirect_dma source(%dma_start3A_816 : memref<10000x2x128xf32, #tpu.memory_space<hbm>>) target(%dma_start3A_809 : memref<64x2x128xf32, #tpu.memory_space<vmem>>) offsets(%dma_start3A_812 : memref<64xi32, #tpu.memory_space<vmem>>) semaphore(%arg14 : memref<!tpu.dma_semaphore, #tpu.memory_space<semaphore_mem>>)
    }
    %while3A_396 = arith.constant 1 : i32
    scf.for %while3A_432 = %while3A_394 to %while3A_390 step %while3A_396  : i32 {
      %mul3A_433 = arith.muli %while3A_432, %while3A : i32
      %add3A_434 = arith.addi %while3A_387, %mul3A_433 : i32
      %mul3A_435 = arith.constant 2 : i32
      %mul3A_436 = arith.muli %add3A_434, %mul3A_435 : i32
      %add3A_437 = arith.constant 0 : i32
      %add3A_438 = arith.addi %mul3A_436, %add3A_437 : i32
      %dma_wait3A_439 = arith.constant 0 : i32
      %dma_wait3A_440 = arith.constant 0 : i32
      %dma_wait3A_441 = arith.constant 0 : i32
      %dma_wait3A_442 = arith.constant 0 : i32
      %dma_wait3A_443 = arith.constant 0 : i32
      %dma_wait3A_444 = tpu.memref_slice %arg11[%dma_wait3A_440, %dma_wait3A_441, %dma_wait3A_442, %dma_wait3A_443] : memref<2x64x2x128xf32, #tpu.memory_space<vmem>> -> memref<1x64x2x128xf32, #tpu.memory_space<vmem>>
      %dma_wait3A_445 = tpu.memref_squeeze %dma_wait3A_444 : memref<1x64x2x128xf32, #tpu.memory_space<vmem>> -> memref<64x2x128xf32, #tpu.memory_space<vmem>>
      %dma_wait3A_446 = arith.constant 0 : i32
      %dma_wait3A_447 = tpu.memref_slice %arg10[%dma_wait3A_439, %dma_wait3A_446] : memref<2x64xi32, #tpu.memory_space<vmem>> -> memref<1x64xi32, #tpu.memory_space<vmem>>
      %dma_wait3A_448 = tpu.memref_squeeze %dma_wait3A_447 : memref<1x64xi32, #tpu.memory_space<vmem>> -> memref<64xi32, #tpu.memory_space<vmem>>
      %dma_wait3A_449 = arith.constant 0 : i32
      %dma_wait3A_450 = arith.constant 0 : i32
      %dma_wait3A_451 = arith.constant 0 : i32
      %dma_wait3A_452 = tpu.memref_slice %arg2[%dma_wait3A_449, %dma_wait3A_450, %dma_wait3A_451] : memref<10000x2x128xf32, #tpu.memory_space<hbm>> -> memref<10000x2x128xf32, #tpu.memory_space<hbm>>
      tpu.wait_indirect_dma semaphore(%arg13 : memref<!tpu.dma_semaphore, #tpu.memory_space<semaphore_mem>>) src(%dma_wait3A_452 : memref<10000x2x128xf32, #tpu.memory_space<hbm>>) dst(%dma_wait3A_445 : memref<64x2x128xf32, #tpu.memory_space<vmem>>)
      %dma_start3A_453 = arith.constant 0 : i32
      %dma_start3A_454 = arith.constant 0 : i32
      %dma_start3A_455 = arith.constant 0 : i32
      %dma_start3A_456 = arith.constant 0 : i32
      %dma_start3A_457 = arith.constant 0 : i32
      %dma_start3A_458 = tpu.memref_slice %arg11[%dma_start3A_453, %dma_start3A_455, %dma_start3A_456, %dma_start3A_457] : memref<2x64x2x128xf32, #tpu.memory_space<vmem>> -> memref<1x64x2x128xf32, #tpu.memory_space<vmem>>
      %dma_start3A_459 = tpu.memref_squeeze %dma_start3A_458 : memref<1x64x2x128xf32, #tpu.memory_space<vmem>> -> memref<64x2x128xf32, #tpu.memory_space<vmem>>
      %dma_start3A_460 = arith.constant 0 : i32
      %dma_start3A_461 = tpu.memref_slice %arg9[%dma_start3A_454, %dma_start3A_460] : memref<2x64xi32, #tpu.memory_space<vmem>> -> memref<1x64xi32, #tpu.memory_space<vmem>>
      %dma_start3A_462 = tpu.memref_squeeze %dma_start3A_461 : memref<1x64xi32, #tpu.memory_space<vmem>> -> memref<64xi32, #tpu.memory_space<vmem>>
      %dma_start3A_463 = arith.constant 0 : i32
      %dma_start3A_464 = arith.constant 0 : i32
      %dma_start3A_465 = arith.constant 0 : i32
      %dma_start3A_466 = tpu.memref_slice %arg8[%dma_start3A_463, %dma_start3A_464, %dma_start3A_465] : memref<5632x2x128xf32, #tpu.memory_space<vmem_shared>> -> memref<5632x2x128xf32, #tpu.memory_space<vmem_shared>>
      tpu.enqueue_indirect_dma source(%dma_start3A_459 : memref<64x2x128xf32, #tpu.memory_space<vmem>>) target(%dma_start3A_466 : memref<5632x2x128xf32, #tpu.memory_space<vmem_shared>>) offsets(%dma_start3A_462 : memref<64xi32, #tpu.memory_space<vmem>>) semaphore(%arg15 : memref<!tpu.dma_semaphore, #tpu.memory_space<semaphore_mem>>) {add = true}
      %dma_wait3A_467 = arith.constant 0 : i32
      %dma_wait3A_468 = arith.constant 0 : i32
      %dma_wait3A_469 = arith.constant 0 : i32
      %dma_wait3A_470 = arith.constant 0 : i32
      %dma_wait3A_471 = arith.constant 0 : i32
      %dma_wait3A_472 = tpu.memref_slice %arg11[%dma_wait3A_467, %dma_wait3A_469, %dma_wait3A_470, %dma_wait3A_471] : memref<2x64x2x128xf32, #tpu.memory_space<vmem>> -> memref<1x64x2x128xf32, #tpu.memory_space<vmem>>
      %dma_wait3A_473 = tpu.memref_squeeze %dma_wait3A_472 : memref<1x64x2x128xf32, #tpu.memory_space<vmem>> -> memref<64x2x128xf32, #tpu.memory_space<vmem>>
      %dma_wait3A_474 = arith.constant 0 : i32
      %dma_wait3A_475 = tpu.memref_slice %arg9[%dma_wait3A_468, %dma_wait3A_474] : memref<2x64xi32, #tpu.memory_space<vmem>> -> memref<1x64xi32, #tpu.memory_space<vmem>>
      %dma_wait3A_476 = tpu.memref_squeeze %dma_wait3A_475 : memref<1x64xi32, #tpu.memory_space<vmem>> -> memref<64xi32, #tpu.memory_space<vmem>>
      %dma_wait3A_477 = arith.constant 0 : i32
      %dma_wait3A_478 = arith.constant 0 : i32
      %dma_wait3A_479 = arith.constant 0 : i32
      %dma_wait3A_480 = tpu.memref_slice %arg8[%dma_wait3A_477, %dma_wait3A_478, %dma_wait3A_479] : memref<5632x2x128xf32, #tpu.memory_space<vmem_shared>> -> memref<5632x2x128xf32, #tpu.memory_space<vmem_shared>>
      tpu.wait_indirect_dma semaphore(%arg15 : memref<!tpu.dma_semaphore, #tpu.memory_space<semaphore_mem>>) src(%dma_wait3A_473 : memref<64x2x128xf32, #tpu.memory_space<vmem>>) dst(%dma_wait3A_480 : memref<5632x2x128xf32, #tpu.memory_space<vmem_shared>>)
      %add3A_481 = arith.constant 2 : i32
      %add3A_482 = arith.addi %add3A_438, %add3A_481 : i32
      %mul3A_483 = arith.constant 64 : i32
      %mul3A_484 = arith.muli %add3A_482, %mul3A_483 : i32
      %add3A_485 = arith.addi %add3A_96, %mul3A_484 : i32
      %dma_start3A_486 = arith.constant 0 : i32
      %dma_start3A_487 = arith.constant 0 : i32
      %dma_start3A_488 = tpu.memref_slice %arg9[%dma_start3A_486, %dma_start3A_487] : memref<2x64xi32, #tpu.memory_space<vmem>> -> memref<1x64xi32, #tpu.memory_space<vmem>>
      %dma_start3A_489 = tpu.memref_squeeze %dma_start3A_488 : memref<1x64xi32, #tpu.memory_space<vmem>> -> memref<64xi32, #tpu.memory_space<vmem>>
      %dma_start3A_490 = tpu.memref_slice %arg4[%add3A_485] : memref<323584xi32, #tpu.memory_space<hbm>> -> memref<64xi32, #tpu.memory_space<hbm>>
      %dma_start3A_491 = arith.constant 0 : i32
      %dma_start3A_492 = tpu.memref_slice %arg9[%dma_start3A_486, %dma_start3A_491] : memref<2x64xi32, #tpu.memory_space<vmem>> -> memref<1x64xi32, #tpu.memory_space<vmem>>
      %dma_start3A_493 = tpu.memref_squeeze %dma_start3A_492 : memref<1x64xi32, #tpu.memory_space<vmem>> -> memref<64xi32, #tpu.memory_space<vmem>>
      %dma_start3A_494 = tpu.memref_slice %arg4[%add3A_485] : memref<323584xi32, #tpu.memory_space<hbm>> -> memref<64xi32, #tpu.memory_space<hbm>>
      tpu.enqueue_dma source(%dma_start3A_494 : memref<64xi32, #tpu.memory_space<hbm>>) target(%dma_start3A_493 : memref<64xi32, #tpu.memory_space<vmem>>) target_semaphore(%arg17 : memref<!tpu.dma_semaphore, #tpu.memory_space<semaphore_mem>>)
      %mul3A_495 = arith.constant 64 : i32
      %mul3A_496 = arith.muli %add3A_482, %mul3A_495 : i32
      %add3A_497 = arith.addi %add3A_96, %mul3A_496 : i32
      %dma_start3A_498 = arith.constant 0 : i32
      %dma_start3A_499 = arith.constant 0 : i32
      %dma_start3A_500 = tpu.memref_slice %arg10[%dma_start3A_498, %dma_start3A_499] : memref<2x64xi32, #tpu.memory_space<vmem>> -> memref<1x64xi32, #tpu.memory_space<vmem>>
      %dma_start3A_501 = tpu.memref_squeeze %dma_start3A_500 : memref<1x64xi32, #tpu.memory_space<vmem>> -> memref<64xi32, #tpu.memory_space<vmem>>
      %dma_start3A_502 = tpu.memref_slice %arg5[%add3A_497] : memref<323584xi32, #tpu.memory_space<hbm>> -> memref<64xi32, #tpu.memory_space<hbm>>
      %dma_start3A_503 = arith.constant 0 : i32
      %dma_start3A_504 = tpu.memref_slice %arg10[%dma_start3A_498, %dma_start3A_503] : memref<2x64xi32, #tpu.memory_space<vmem>> -> memref<1x64xi32, #tpu.memory_space<vmem>>
      %dma_start3A_505 = tpu.memref_squeeze %dma_start3A_504 : memref<1x64xi32, #tpu.memory_space<vmem>> -> memref<64xi32, #tpu.memory_space<vmem>>
      %dma_start3A_506 = tpu.memref_slice %arg5[%add3A_497] : memref<323584xi32, #tpu.memory_space<hbm>> -> memref<64xi32, #tpu.memory_space<hbm>>
      tpu.enqueue_dma source(%dma_start3A_506 : memref<64xi32, #tpu.memory_space<hbm>>) target(%dma_start3A_505 : memref<64xi32, #tpu.memory_space<vmem>>) target_semaphore(%arg17 : memref<!tpu.dma_semaphore, #tpu.memory_space<semaphore_mem>>)
      %add3A_507 = arith.constant 2 : i32
      %add3A_508 = arith.addi %add3A_438, %add3A_507 : i32
      %mul3A_509 = arith.constant 64 : i32
      %mul3A_510 = arith.muli %add3A_508, %mul3A_509 : i32
      %add3A_511 = arith.addi %add3A_96, %mul3A_510 : i32
      %dma_wait3A_512 = arith.constant 0 : i32
      %dma_wait3A_513 = arith.constant 0 : i32
      %dma_wait3A_514 = tpu.memref_slice %arg9[%dma_wait3A_512, %dma_wait3A_513] : memref<2x64xi32, #tpu.memory_space<vmem>> -> memref<1x64xi32, #tpu.memory_space<vmem>>
      %dma_wait3A_515 = tpu.memref_squeeze %dma_wait3A_514 : memref<1x64xi32, #tpu.memory_space<vmem>> -> memref<64xi32, #tpu.memory_space<vmem>>
      %dma_wait3A_516 = tpu.memref_slice %arg4[%add3A_511] : memref<323584xi32, #tpu.memory_space<hbm>> -> memref<64xi32, #tpu.memory_space<hbm>>
      %dma_wait3A_517 = arith.constant 0 : i32
      %dma_wait3A_518 = tpu.memref_slice %arg9[%dma_wait3A_512, %dma_wait3A_517] : memref<2x64xi32, #tpu.memory_space<vmem>> -> memref<1x64xi32, #tpu.memory_space<vmem>>
      %dma_wait3A_519 = tpu.memref_squeeze %dma_wait3A_518 : memref<1x64xi32, #tpu.memory_space<vmem>> -> memref<64xi32, #tpu.memory_space<vmem>>
      %dma_wait3A_520 = tpu.memref_slice %arg4[%add3A_511] : memref<323584xi32, #tpu.memory_space<hbm>> -> memref<64xi32, #tpu.memory_space<hbm>>
      tpu.wait_dma2 semaphore(%arg17 : memref<!tpu.dma_semaphore, #tpu.memory_space<semaphore_mem>>) src(%dma_wait3A_520 : memref<64xi32, #tpu.memory_space<hbm>>) dst(%dma_wait3A_519 : memref<64xi32, #tpu.memory_space<vmem>>)
      %mul3A_521 = arith.constant 64 : i32
      %mul3A_522 = arith.muli %add3A_508, %mul3A_521 : i32
      %add3A_523 = arith.addi %add3A_96, %mul3A_522 : i32
      %dma_wait3A_524 = arith.constant 0 : i32
      %dma_wait3A_525 = arith.constant 0 : i32
      %dma_wait3A_526 = tpu.memref_slice %arg10[%dma_wait3A_524, %dma_wait3A_525] : memref<2x64xi32, #tpu.memory_space<vmem>> -> memref<1x64xi32, #tpu.memory_space<vmem>>
      %dma_wait3A_527 = tpu.memref_squeeze %dma_wait3A_526 : memref<1x64xi32, #tpu.memory_space<vmem>> -> memref<64xi32, #tpu.memory_space<vmem>>
      %dma_wait3A_528 = tpu.memref_slice %arg5[%add3A_523] : memref<323584xi32, #tpu.memory_space<hbm>> -> memref<64xi32, #tpu.memory_space<hbm>>
      %dma_wait3A_529 = arith.constant 0 : i32
      %dma_wait3A_530 = tpu.memref_slice %arg10[%dma_wait3A_524, %dma_wait3A_529] : memref<2x64xi32, #tpu.memory_space<vmem>> -> memref<1x64xi32, #tpu.memory_space<vmem>>
      %dma_wait3A_531 = tpu.memref_squeeze %dma_wait3A_530 : memref<1x64xi32, #tpu.memory_space<vmem>> -> memref<64xi32, #tpu.memory_space<vmem>>
      %dma_wait3A_532 = tpu.memref_slice %arg5[%add3A_523] : memref<323584xi32, #tpu.memory_space<hbm>> -> memref<64xi32, #tpu.memory_space<hbm>>
      tpu.wait_dma2 semaphore(%arg17 : memref<!tpu.dma_semaphore, #tpu.memory_space<semaphore_mem>>) src(%dma_wait3A_532 : memref<64xi32, #tpu.memory_space<hbm>>) dst(%dma_wait3A_531 : memref<64xi32, #tpu.memory_space<vmem>>)
      %get3A_533 = arith.constant 0 : i32
      %get3A_534 = arith.index_cast %get3A_533 : i32 to index
      %get3A_535 = arith.constant 0 : index
      %get3A_536 = tpu.vector_load %arg9[%get3A_534, %get3A_535] {strides = array<i32>} : memref<2x64xi32, #tpu.memory_space<vmem>>, vector<16xi32>,
      %get3A_537 = arith.constant 0 : i32
      %get3A_538 = arith.index_cast %get3A_537 : i32 to index
      %get3A_539 = arith.constant 0 : index
      %get3A_540 = tpu.vector_load %arg10[%get3A_538, %get3A_539] {strides = array<i32>} : memref<2x64xi32, #tpu.memory_space<vmem>>, vector<16xi32>,
      %iota3A_541 = tpu.iota {dimensions = array<i32: 0>} : vector<16xi32>
      %add3A_542 = arith.constant 5000 : i32
      %add3A_543 = vector.broadcast %add3A_542 : i32 to vector<16xi32>
      %add3A_544 = arith.addi %iota3A_541, %add3A_543 : vector<16xi32>
      %eq3A_545 = arith.cmpi eq, %get3A_536, %get3A_540 : vector<16xi32>
      %sub3A_546 = vector.broadcast %mul3A_98 : i32 to vector<16xi32>
      %sub3A_547 = arith.subi %get3A_536, %sub3A_546 : vector<16xi32>
      %select_n3A_548 = arith.select %eq3A_545, %add3A_544, %sub3A_547 : vector<16xi1>, vector<16xi32>
      %swap3A_549 = arith.constant 0 : i32
      %swap3A_550 = arith.index_cast %swap3A_549 : i32 to index
      %swap3A_551 = arith.constant 0 : index
      %swap3A_552 = tpu.vector_load %arg9[%swap3A_550, %swap3A_551] {strides = array<i32>} : memref<2x64xi32, #tpu.memory_space<vmem>>, vector<16xi32>,
      tpu.vector_store %arg9[%swap3A_550, %swap3A_551], %select_n3A_548 {strides = array<i32>} : memref<2x64xi32, #tpu.memory_space<vmem>>, vector<16xi32>,
      %get3A_553 = arith.constant 0 : i32
      %get3A_554 = arith.index_cast %get3A_553 : i32 to index
      %get3A_555 = arith.constant 16 : index
      %get3A_556 = tpu.vector_load %arg9[%get3A_554, %get3A_555] {strides = array<i32>} : memref<2x64xi32, #tpu.memory_space<vmem>>, vector<16xi32>,
      %get3A_557 = arith.constant 0 : i32
      %get3A_558 = arith.index_cast %get3A_557 : i32 to index
      %get3A_559 = arith.constant 16 : index
      %get3A_560 = tpu.vector_load %arg10[%get3A_558, %get3A_559] {strides = array<i32>} : memref<2x64xi32, #tpu.memory_space<vmem>>, vector<16xi32>,
      %iota3A_561 = tpu.iota {dimensions = array<i32: 0>} : vector<16xi32>
      %add3A_562 = arith.constant 5016 : i32
      %add3A_563 = vector.broadcast %add3A_562 : i32 to vector<16xi32>
      %add3A_564 = arith.addi %iota3A_561, %add3A_563 : vector<16xi32>
      %eq3A_565 = arith.cmpi eq, %get3A_556, %get3A_560 : vector<16xi32>
      %sub3A_566 = vector.broadcast %mul3A_98 : i32 to vector<16xi32>
      %sub3A_567 = arith.subi %get3A_556, %sub3A_566 : vector<16xi32>
      %select_n3A_568 = arith.select %eq3A_565, %add3A_564, %sub3A_567 : vector<16xi1>, vector<16xi32>
      %swap3A_569 = arith.constant 0 : i32
      %swap3A_570 = arith.index_cast %swap3A_569 : i32 to index
      %swap3A_571 = arith.constant 16 : index
      %swap3A_572 = tpu.vector_load %arg9[%swap3A_570, %swap3A_571] {strides = array<i32>} : memref<2x64xi32, #tpu.memory_space<vmem>>, vector<16xi32>,
      tpu.vector_store %arg9[%swap3A_570, %swap3A_571], %select_n3A_568 {strides = array<i32>} : memref<2x64xi32, #tpu.memory_space<vmem>>, vector<16xi32>,
      %get3A_573 = arith.constant 0 : i32
      %get3A_574 = arith.index_cast %get3A_573 : i32 to index
      %get3A_575 = arith.constant 32 : index
      %get3A_576 = tpu.vector_load %arg9[%get3A_574, %get3A_575] {strides = array<i32>} : memref<2x64xi32, #tpu.memory_space<vmem>>, vector<16xi32>,
      %get3A_577 = arith.constant 0 : i32
      %get3A_578 = arith.index_cast %get3A_577 : i32 to index
      %get3A_579 = arith.constant 32 : index
      %get3A_580 = tpu.vector_load %arg10[%get3A_578, %get3A_579] {strides = array<i32>} : memref<2x64xi32, #tpu.memory_space<vmem>>, vector<16xi32>,
      %iota3A_581 = tpu.iota {dimensions = array<i32: 0>} : vector<16xi32>
      %add3A_582 = arith.constant 5032 : i32
      %add3A_583 = vector.broadcast %add3A_582 : i32 to vector<16xi32>
      %add3A_584 = arith.addi %iota3A_581, %add3A_583 : vector<16xi32>
      %eq3A_585 = arith.cmpi eq, %get3A_576, %get3A_580 : vector<16xi32>
      %sub3A_586 = vector.broadcast %mul3A_98 : i32 to vector<16xi32>
      %sub3A_587 = arith.subi %get3A_576, %sub3A_586 : vector<16xi32>
      %select_n3A_588 = arith.select %eq3A_585, %add3A_584, %sub3A_587 : vector<16xi1>, vector<16xi32>
      %swap3A_589 = arith.constant 0 : i32
      %swap3A_590 = arith.index_cast %swap3A_589 : i32 to index
      %swap3A_591 = arith.constant 32 : index
      %swap3A_592 = tpu.vector_load %arg9[%swap3A_590, %swap3A_591] {strides = array<i32>} : memref<2x64xi32, #tpu.memory_space<vmem>>, vector<16xi32>,
      tpu.vector_store %arg9[%swap3A_590, %swap3A_591], %select_n3A_588 {strides = array<i32>} : memref<2x64xi32, #tpu.memory_space<vmem>>, vector<16xi32>,
      %get3A_593 = arith.constant 0 : i32
      %get3A_594 = arith.index_cast %get3A_593 : i32 to index
      %get3A_595 = arith.constant 48 : index
      %get3A_596 = tpu.vector_load %arg9[%get3A_594, %get3A_595] {strides = array<i32>} : memref<2x64xi32, #tpu.memory_space<vmem>>, vector<16xi32>,
      %get3A_597 = arith.constant 0 : i32
      %get3A_598 = arith.index_cast %get3A_597 : i32 to index
      %get3A_599 = arith.constant 48 : index
      %get3A_600 = tpu.vector_load %arg10[%get3A_598, %get3A_599] {strides = array<i32>} : memref<2x64xi32, #tpu.memory_space<vmem>>, vector<16xi32>,
      %iota3A_601 = tpu.iota {dimensions = array<i32: 0>} : vector<16xi32>
      %add3A_602 = arith.constant 5048 : i32
      %add3A_603 = vector.broadcast %add3A_602 : i32 to vector<16xi32>
      %add3A_604 = arith.addi %iota3A_601, %add3A_603 : vector<16xi32>
      %eq3A_605 = arith.cmpi eq, %get3A_596, %get3A_600 : vector<16xi32>
      %sub3A_606 = vector.broadcast %mul3A_98 : i32 to vector<16xi32>
      %sub3A_607 = arith.subi %get3A_596, %sub3A_606 : vector<16xi32>
      %select_n3A_608 = arith.select %eq3A_605, %add3A_604, %sub3A_607 : vector<16xi1>, vector<16xi32>
      %swap3A_609 = arith.constant 0 : i32
      %swap3A_610 = arith.index_cast %swap3A_609 : i32 to index
      %swap3A_611 = arith.constant 48 : index
      %swap3A_612 = tpu.vector_load %arg9[%swap3A_610, %swap3A_611] {strides = array<i32>} : memref<2x64xi32, #tpu.memory_space<vmem>>, vector<16xi32>,
      tpu.vector_store %arg9[%swap3A_610, %swap3A_611], %select_n3A_608 {strides = array<i32>} : memref<2x64xi32, #tpu.memory_space<vmem>>, vector<16xi32>,
      %dma_start3A_613 = arith.constant 0 : i32
      %dma_start3A_614 = arith.constant 0 : i32
      %dma_start3A_615 = arith.constant 0 : i32
      %dma_start3A_616 = arith.constant 0 : i32
      %dma_start3A_617 = arith.constant 0 : i32
      %dma_start3A_618 = tpu.memref_slice %arg11[%dma_start3A_614, %dma_start3A_615, %dma_start3A_616, %dma_start3A_617] : memref<2x64x2x128xf32, #tpu.memory_space<vmem>> -> memref<1x64x2x128xf32, #tpu.memory_space<vmem>>
      %dma_start3A_619 = tpu.memref_squeeze %dma_start3A_618 : memref<1x64x2x128xf32, #tpu.memory_space<vmem>> -> memref<64x2x128xf32, #tpu.memory_space<vmem>>
      %dma_start3A_620 = arith.constant 0 : i32
      %dma_start3A_621 = tpu.memref_slice %arg10[%dma_start3A_613, %dma_start3A_620] : memref<2x64xi32, #tpu.memory_space<vmem>> -> memref<1x64xi32, #tpu.memory_space<vmem>>
      %dma_start3A_622 = tpu.memref_squeeze %dma_start3A_621 : memref<1x64xi32, #tpu.memory_space<vmem>> -> memref<64xi32, #tpu.memory_space<vmem>>
      %dma_start3A_623 = arith.constant 0 : i32
      %dma_start3A_624 = arith.constant 0 : i32
      %dma_start3A_625 = arith.constant 0 : i32
      %dma_start3A_626 = tpu.memref_slice %arg2[%dma_start3A_623, %dma_start3A_624, %dma_start3A_625] : memref<10000x2x128xf32, #tpu.memory_space<hbm>> -> memref<10000x2x128xf32, #tpu.memory_space<hbm>>
      tpu.enqueue_indirect_dma source(%dma_start3A_626 : memref<10000x2x128xf32, #tpu.memory_space<hbm>>) target(%dma_start3A_619 : memref<64x2x128xf32, #tpu.memory_space<vmem>>) offsets(%dma_start3A_622 : memref<64xi32, #tpu.memory_space<vmem>>) semaphore(%arg13 : memref<!tpu.dma_semaphore, #tpu.memory_space<semaphore_mem>>)
      %add3A_627 = arith.constant 1 : i32
      %add3A_628 = arith.addi %mul3A_436, %add3A_627 : i32
      %dma_wait3A_629 = arith.constant 1 : i32
      %dma_wait3A_630 = arith.constant 1 : i32
      %dma_wait3A_631 = arith.constant 0 : i32
      %dma_wait3A_632 = arith.constant 0 : i32
      %dma_wait3A_633 = arith.constant 0 : i32
      %dma_wait3A_634 = tpu.memref_slice %arg11[%dma_wait3A_630, %dma_wait3A_631, %dma_wait3A_632, %dma_wait3A_633] : memref<2x64x2x128xf32, #tpu.memory_space<vmem>> -> memref<1x64x2x128xf32, #tpu.memory_space<vmem>>
      %dma_wait3A_635 = tpu.memref_squeeze %dma_wait3A_634 : memref<1x64x2x128xf32, #tpu.memory_space<vmem>> -> memref<64x2x128xf32, #tpu.memory_space<vmem>>
      %dma_wait3A_636 = arith.constant 0 : i32
      %dma_wait3A_637 = tpu.memref_slice %arg10[%dma_wait3A_629, %dma_wait3A_636] : memref<2x64xi32, #tpu.memory_space<vmem>> -> memref<1x64xi32, #tpu.memory_space<vmem>>
      %dma_wait3A_638 = tpu.memref_squeeze %dma_wait3A_637 : memref<1x64xi32, #tpu.memory_space<vmem>> -> memref<64xi32, #tpu.memory_space<vmem>>
      %dma_wait3A_639 = arith.constant 0 : i32
      %dma_wait3A_640 = arith.constant 0 : i32
      %dma_wait3A_641 = arith.constant 0 : i32
      %dma_wait3A_642 = tpu.memref_slice %arg2[%dma_wait3A_639, %dma_wait3A_640, %dma_wait3A_641] : memref<10000x2x128xf32, #tpu.memory_space<hbm>> -> memref<10000x2x128xf32, #tpu.memory_space<hbm>>
      tpu.wait_indirect_dma semaphore(%arg14 : memref<!tpu.dma_semaphore, #tpu.memory_space<semaphore_mem>>) src(%dma_wait3A_642 : memref<10000x2x128xf32, #tpu.memory_space<hbm>>) dst(%dma_wait3A_635 : memref<64x2x128xf32, #tpu.memory_space<vmem>>)
      %dma_start3A_643 = arith.constant 1 : i32
      %dma_start3A_644 = arith.constant 1 : i32
      %dma_start3A_645 = arith.constant 0 : i32
      %dma_start3A_646 = arith.constant 0 : i32
      %dma_start3A_647 = arith.constant 0 : i32
      %dma_start3A_648 = tpu.memref_slice %arg11[%dma_start3A_643, %dma_start3A_645, %dma_start3A_646, %dma_start3A_647] : memref<2x64x2x128xf32, #tpu.memory_space<vmem>> -> memref<1x64x2x128xf32, #tpu.memory_space<vmem>>
      %dma_start3A_649 = tpu.memref_squeeze %dma_start3A_648 : memref<1x64x2x128xf32, #tpu.memory_space<vmem>> -> memref<64x2x128xf32, #tpu.memory_space<vmem>>
      %dma_start3A_650 = arith.constant 0 : i32
      %dma_start3A_651 = tpu.memref_slice %arg9[%dma_start3A_644, %dma_start3A_650] : memref<2x64xi32, #tpu.memory_space<vmem>> -> memref<1x64xi32, #tpu.memory_space<vmem>>
      %dma_start3A_652 = tpu.memref_squeeze %dma_start3A_651 : memref<1x64xi32, #tpu.memory_space<vmem>> -> memref<64xi32, #tpu.memory_space<vmem>>
      %dma_start3A_653 = arith.constant 0 : i32
      %dma_start3A_654 = arith.constant 0 : i32
      %dma_start3A_655 = arith.constant 0 : i32
      %dma_start3A_656 = tpu.memref_slice %arg8[%dma_start3A_653, %dma_start3A_654, %dma_start3A_655] : memref<5632x2x128xf32, #tpu.memory_space<vmem_shared>> -> memref<5632x2x128xf32, #tpu.memory_space<vmem_shared>>
      tpu.enqueue_indirect_dma source(%dma_start3A_649 : memref<64x2x128xf32, #tpu.memory_space<vmem>>) target(%dma_start3A_656 : memref<5632x2x128xf32, #tpu.memory_space<vmem_shared>>) offsets(%dma_start3A_652 : memref<64xi32, #tpu.memory_space<vmem>>) semaphore(%arg16 : memref<!tpu.dma_semaphore, #tpu.memory_space<semaphore_mem>>) {add = true}
      %dma_wait3A_657 = arith.constant 1 : i32
      %dma_wait3A_658 = arith.constant 1 : i32
      %dma_wait3A_659 = arith.constant 0 : i32
      %dma_wait3A_660 = arith.constant 0 : i32
      %dma_wait3A_661 = arith.constant 0 : i32
      %dma_wait3A_662 = tpu.memref_slice %arg11[%dma_wait3A_657, %dma_wait3A_659, %dma_wait3A_660, %dma_wait3A_661] : memref<2x64x2x128xf32, #tpu.memory_space<vmem>> -> memref<1x64x2x128xf32, #tpu.memory_space<vmem>>
      %dma_wait3A_663 = tpu.memref_squeeze %dma_wait3A_662 : memref<1x64x2x128xf32, #tpu.memory_space<vmem>> -> memref<64x2x128xf32, #tpu.memory_space<vmem>>
      %dma_wait3A_664 = arith.constant 0 : i32
      %dma_wait3A_665 = tpu.memref_slice %arg9[%dma_wait3A_658, %dma_wait3A_664] : memref<2x64xi32, #tpu.memory_space<vmem>> -> memref<1x64xi32, #tpu.memory_space<vmem>>
      %dma_wait3A_666 = tpu.memref_squeeze %dma_wait3A_665 : memref<1x64xi32, #tpu.memory_space<vmem>> -> memref<64xi32, #tpu.memory_space<vmem>>
      %dma_wait3A_667 = arith.constant 0 : i32
      %dma_wait3A_668 = arith.constant 0 : i32
      %dma_wait3A_669 = arith.constant 0 : i32
      %dma_wait3A_670 = tpu.memref_slice %arg8[%dma_wait3A_667, %dma_wait3A_668, %dma_wait3A_669] : memref<5632x2x128xf32, #tpu.memory_space<vmem_shared>> -> memref<5632x2x128xf32, #tpu.memory_space<vmem_shared>>
      tpu.wait_indirect_dma semaphore(%arg16 : memref<!tpu.dma_semaphore, #tpu.memory_space<semaphore_mem>>) src(%dma_wait3A_663 : memref<64x2x128xf32, #tpu.memory_space<vmem>>) dst(%dma_wait3A_670 : memref<5632x2x128xf32, #tpu.memory_space<vmem_shared>>)
      %add3A_671 = arith.constant 2 : i32
      %add3A_672 = arith.addi %add3A_628, %add3A_671 : i32
      %mul3A_673 = arith.constant 64 : i32
      %mul3A_674 = arith.muli %add3A_672, %mul3A_673 : i32
      %add3A_675 = arith.addi %add3A_96, %mul3A_674 : i32
      %dma_start3A_676 = arith.constant 1 : i32
      %dma_start3A_677 = arith.constant 0 : i32
      %dma_start3A_678 = tpu.memref_slice %arg9[%dma_start3A_676, %dma_start3A_677] : memref<2x64xi32, #tpu.memory_space<vmem>> -> memref<1x64xi32, #tpu.memory_space<vmem>>
      %dma_start3A_679 = tpu.memref_squeeze %dma_start3A_678 : memref<1x64xi32, #tpu.memory_space<vmem>> -> memref<64xi32, #tpu.memory_space<vmem>>
      %dma_start3A_680 = tpu.memref_slice %arg4[%add3A_675] : memref<323584xi32, #tpu.memory_space<hbm>> -> memref<64xi32, #tpu.memory_space<hbm>>
      %dma_start3A_681 = arith.constant 0 : i32
      %dma_start3A_682 = tpu.memref_slice %arg9[%dma_start3A_676, %dma_start3A_681] : memref<2x64xi32, #tpu.memory_space<vmem>> -> memref<1x64xi32, #tpu.memory_space<vmem>>
      %dma_start3A_683 = tpu.memref_squeeze %dma_start3A_682 : memref<1x64xi32, #tpu.memory_space<vmem>> -> memref<64xi32, #tpu.memory_space<vmem>>
      %dma_start3A_684 = tpu.memref_slice %arg4[%add3A_675] : memref<323584xi32, #tpu.memory_space<hbm>> -> memref<64xi32, #tpu.memory_space<hbm>>
      tpu.enqueue_dma source(%dma_start3A_684 : memref<64xi32, #tpu.memory_space<hbm>>) target(%dma_start3A_683 : memref<64xi32, #tpu.memory_space<vmem>>) target_semaphore(%arg18 : memref<!tpu.dma_semaphore, #tpu.memory_space<semaphore_mem>>)
      %mul3A_685 = arith.constant 64 : i32
      %mul3A_686 = arith.muli %add3A_672, %mul3A_685 : i32
      %add3A_687 = arith.addi %add3A_96, %mul3A_686 : i32
      %dma_start3A_688 = arith.constant 1 : i32
      %dma_start3A_689 = arith.constant 0 : i32
      %dma_start3A_690 = tpu.memref_slice %arg10[%dma_start3A_688, %dma_start3A_689] : memref<2x64xi32, #tpu.memory_space<vmem>> -> memref<1x64xi32, #tpu.memory_space<vmem>>
      %dma_start3A_691 = tpu.memref_squeeze %dma_start3A_690 : memref<1x64xi32, #tpu.memory_space<vmem>> -> memref<64xi32, #tpu.memory_space<vmem>>
      %dma_start3A_692 = tpu.memref_slice %arg5[%add3A_687] : memref<323584xi32, #tpu.memory_space<hbm>> -> memref<64xi32, #tpu.memory_space<hbm>>
      %dma_start3A_693 = arith.constant 0 : i32
      %dma_start3A_694 = tpu.memref_slice %arg10[%dma_start3A_688, %dma_start3A_693] : memref<2x64xi32, #tpu.memory_space<vmem>> -> memref<1x64xi32, #tpu.memory_space<vmem>>
      %dma_start3A_695 = tpu.memref_squeeze %dma_start3A_694 : memref<1x64xi32, #tpu.memory_space<vmem>> -> memref<64xi32, #tpu.memory_space<vmem>>
      %dma_start3A_696 = tpu.memref_slice %arg5[%add3A_687] : memref<323584xi32, #tpu.memory_space<hbm>> -> memref<64xi32, #tpu.memory_space<hbm>>
      tpu.enqueue_dma source(%dma_start3A_696 : memref<64xi32, #tpu.memory_space<hbm>>) target(%dma_start3A_695 : memref<64xi32, #tpu.memory_space<vmem>>) target_semaphore(%arg18 : memref<!tpu.dma_semaphore, #tpu.memory_space<semaphore_mem>>)
      %add3A_697 = arith.constant 2 : i32
      %add3A_698 = arith.addi %add3A_628, %add3A_697 : i32
      %mul3A_699 = arith.constant 64 : i32
      %mul3A_700 = arith.muli %add3A_698, %mul3A_699 : i32
      %add3A_701 = arith.addi %add3A_96, %mul3A_700 : i32
      %dma_wait3A_702 = arith.constant 1 : i32
      %dma_wait3A_703 = arith.constant 0 : i32
      %dma_wait3A_704 = tpu.memref_slice %arg9[%dma_wait3A_702, %dma_wait3A_703] : memref<2x64xi32, #tpu.memory_space<vmem>> -> memref<1x64xi32, #tpu.memory_space<vmem>>
      %dma_wait3A_705 = tpu.memref_squeeze %dma_wait3A_704 : memref<1x64xi32, #tpu.memory_space<vmem>> -> memref<64xi32, #tpu.memory_space<vmem>>
      %dma_wait3A_706 = tpu.memref_slice %arg4[%add3A_701] : memref<323584xi32, #tpu.memory_space<hbm>> -> memref<64xi32, #tpu.memory_space<hbm>>
      %dma_wait3A_707 = arith.constant 0 : i32
      %dma_wait3A_708 = tpu.memref_slice %arg9[%dma_wait3A_702, %dma_wait3A_707] : memref<2x64xi32, #tpu.memory_space<vmem>> -> memref<1x64xi32, #tpu.memory_space<vmem>>
      %dma_wait3A_709 = tpu.memref_squeeze %dma_wait3A_708 : memref<1x64xi32, #tpu.memory_space<vmem>> -> memref<64xi32, #tpu.memory_space<vmem>>
      %dma_wait3A_710 = tpu.memref_slice %arg4[%add3A_701] : memref<323584xi32, #tpu.memory_space<hbm>> -> memref<64xi32, #tpu.memory_space<hbm>>
      tpu.wait_dma2 semaphore(%arg18 : memref<!tpu.dma_semaphore, #tpu.memory_space<semaphore_mem>>) src(%dma_wait3A_710 : memref<64xi32, #tpu.memory_space<hbm>>) dst(%dma_wait3A_709 : memref<64xi32, #tpu.memory_space<vmem>>)
      %mul3A_711 = arith.constant 64 : i32
      %mul3A_712 = arith.muli %add3A_698, %mul3A_711 : i32
      %add3A_713 = arith.addi %add3A_96, %mul3A_712 : i32
      %dma_wait3A_714 = arith.constant 1 : i32
      %dma_wait3A_715 = arith.constant 0 : i32
      %dma_wait3A_716 = tpu.memref_slice %arg10[%dma_wait3A_714, %dma_wait3A_715] : memref<2x64xi32, #tpu.memory_space<vmem>> -> memref<1x64xi32, #tpu.memory_space<vmem>>
      %dma_wait3A_717 = tpu.memref_squeeze %dma_wait3A_716 : memref<1x64xi32, #tpu.memory_space<vmem>> -> memref<64xi32, #tpu.memory_space<vmem>>
      %dma_wait3A_718 = tpu.memref_slice %arg5[%add3A_713] : memref<323584xi32, #tpu.memory_space<hbm>> -> memref<64xi32, #tpu.memory_space<hbm>>
      %dma_wait3A_719 = arith.constant 0 : i32
      %dma_wait3A_720 = tpu.memref_slice %arg10[%dma_wait3A_714, %dma_wait3A_719] : memref<2x64xi32, #tpu.memory_space<vmem>> -> memref<1x64xi32, #tpu.memory_space<vmem>>
      %dma_wait3A_721 = tpu.memref_squeeze %dma_wait3A_720 : memref<1x64xi32, #tpu.memory_space<vmem>> -> memref<64xi32, #tpu.memory_space<vmem>>
      %dma_wait3A_722 = tpu.memref_slice %arg5[%add3A_713] : memref<323584xi32, #tpu.memory_space<hbm>> -> memref<64xi32, #tpu.memory_space<hbm>>
      tpu.wait_dma2 semaphore(%arg18 : memref<!tpu.dma_semaphore, #tpu.memory_space<semaphore_mem>>) src(%dma_wait3A_722 : memref<64xi32, #tpu.memory_space<hbm>>) dst(%dma_wait3A_721 : memref<64xi32, #tpu.memory_space<vmem>>)
      %get3A_723 = arith.constant 1 : i32
      %get3A_724 = arith.index_cast %get3A_723 : i32 to index
      %get3A_725 = arith.constant 0 : index
      %get3A_726 = tpu.vector_load %arg9[%get3A_724, %get3A_725] {strides = array<i32>} : memref<2x64xi32, #tpu.memory_space<vmem>>, vector<16xi32>,
      %get3A_727 = arith.constant 1 : i32
      %get3A_728 = arith.index_cast %get3A_727 : i32 to index
      %get3A_729 = arith.constant 0 : index
      %get3A_730 = tpu.vector_load %arg10[%get3A_728, %get3A_729] {strides = array<i32>} : memref<2x64xi32, #tpu.memory_space<vmem>>, vector<16xi32>,
      %iota3A_731 = tpu.iota {dimensions = array<i32: 0>} : vector<16xi32>
      %add3A_732 = arith.constant 5000 : i32
      %add3A_733 = vector.broadcast %add3A_732 : i32 to vector<16xi32>
      %add3A_734 = arith.addi %iota3A_731, %add3A_733 : vector<16xi32>
      %eq3A_735 = arith.cmpi eq, %get3A_726, %get3A_730 : vector<16xi32>
      %sub3A_736 = vector.broadcast %mul3A_98 : i32 to vector<16xi32>
      %sub3A_737 = arith.subi %get3A_726, %sub3A_736 : vector<16xi32>
      %select_n3A_738 = arith.select %eq3A_735, %add3A_734, %sub3A_737 : vector<16xi1>, vector<16xi32>
      %swap3A_739 = arith.constant 1 : i32
      %swap3A_740 = arith.index_cast %swap3A_739 : i32 to index
      %swap3A_741 = arith.constant 0 : index
      %swap3A_742 = tpu.vector_load %arg9[%swap3A_740, %swap3A_741] {strides = array<i32>} : memref<2x64xi32, #tpu.memory_space<vmem>>, vector<16xi32>,
      tpu.vector_store %arg9[%swap3A_740, %swap3A_741], %select_n3A_738 {strides = array<i32>} : memref<2x64xi32, #tpu.memory_space<vmem>>, vector<16xi32>,
      %get3A_743 = arith.constant 1 : i32
      %get3A_744 = arith.index_cast %get3A_743 : i32 to index
      %get3A_745 = arith.constant 16 : index
      %get3A_746 = tpu.vector_load %arg9[%get3A_744, %get3A_745] {strides = array<i32>} : memref<2x64xi32, #tpu.memory_space<vmem>>, vector<16xi32>,
      %get3A_747 = arith.constant 1 : i32
      %get3A_748 = arith.index_cast %get3A_747 : i32 to index
      %get3A_749 = arith.constant 16 : index
      %get3A_750 = tpu.vector_load %arg10[%get3A_748, %get3A_749] {strides = array<i32>} : memref<2x64xi32, #tpu.memory_space<vmem>>, vector<16xi32>,
      %iota3A_751 = tpu.iota {dimensions = array<i32: 0>} : vector<16xi32>
      %add3A_752 = arith.constant 5016 : i32
      %add3A_753 = vector.broadcast %add3A_752 : i32 to vector<16xi32>
      %add3A_754 = arith.addi %iota3A_751, %add3A_753 : vector<16xi32>
      %eq3A_755 = arith.cmpi eq, %get3A_746, %get3A_750 : vector<16xi32>
      %sub3A_756 = vector.broadcast %mul3A_98 : i32 to vector<16xi32>
      %sub3A_757 = arith.subi %get3A_746, %sub3A_756 : vector<16xi32>
      %select_n3A_758 = arith.select %eq3A_755, %add3A_754, %sub3A_757 : vector<16xi1>, vector<16xi32>
      %swap3A_759 = arith.constant 1 : i32
      %swap3A_760 = arith.index_cast %swap3A_759 : i32 to index
      %swap3A_761 = arith.constant 16 : index
      %swap3A_762 = tpu.vector_load %arg9[%swap3A_760, %swap3A_761] {strides = array<i32>} : memref<2x64xi32, #tpu.memory_space<vmem>>, vector<16xi32>,
      tpu.vector_store %arg9[%swap3A_760, %swap3A_761], %select_n3A_758 {strides = array<i32>} : memref<2x64xi32, #tpu.memory_space<vmem>>, vector<16xi32>,
      %get3A_763 = arith.constant 1 : i32
      %get3A_764 = arith.index_cast %get3A_763 : i32 to index
      %get3A_765 = arith.constant 32 : index
      %get3A_766 = tpu.vector_load %arg9[%get3A_764, %get3A_765] {strides = array<i32>} : memref<2x64xi32, #tpu.memory_space<vmem>>, vector<16xi32>,
      %get3A_767 = arith.constant 1 : i32
      %get3A_768 = arith.index_cast %get3A_767 : i32 to index
      %get3A_769 = arith.constant 32 : index
      %get3A_770 = tpu.vector_load %arg10[%get3A_768, %get3A_769] {strides = array<i32>} : memref<2x64xi32, #tpu.memory_space<vmem>>, vector<16xi32>,
      %iota3A_771 = tpu.iota {dimensions = array<i32: 0>} : vector<16xi32>
      %add3A_772 = arith.constant 5032 : i32
      %add3A_773 = vector.broadcast %add3A_772 : i32 to vector<16xi32>
      %add3A_774 = arith.addi %iota3A_771, %add3A_773 : vector<16xi32>
      %eq3A_775 = arith.cmpi eq, %get3A_766, %get3A_770 : vector<16xi32>
      %sub3A_776 = vector.broadcast %mul3A_98 : i32 to vector<16xi32>
      %sub3A_777 = arith.subi %get3A_766, %sub3A_776 : vector<16xi32>
      %select_n3A_778 = arith.select %eq3A_775, %add3A_774, %sub3A_777 : vector<16xi1>, vector<16xi32>
      %swap3A_779 = arith.constant 1 : i32
      %swap3A_780 = arith.index_cast %swap3A_779 : i32 to index
      %swap3A_781 = arith.constant 32 : index
      %swap3A_782 = tpu.vector_load %arg9[%swap3A_780, %swap3A_781] {strides = array<i32>} : memref<2x64xi32, #tpu.memory_space<vmem>>, vector<16xi32>,
      tpu.vector_store %arg9[%swap3A_780, %swap3A_781], %select_n3A_778 {strides = array<i32>} : memref<2x64xi32, #tpu.memory_space<vmem>>, vector<16xi32>,
      %get3A_783 = arith.constant 1 : i32
      %get3A_784 = arith.index_cast %get3A_783 : i32 to index
      %get3A_785 = arith.constant 48 : index
      %get3A_786 = tpu.vector_load %arg9[%get3A_784, %get3A_785] {strides = array<i32>} : memref<2x64xi32, #tpu.memory_space<vmem>>, vector<16xi32>,
      %get3A_787 = arith.constant 1 : i32
      %get3A_788 = arith.index_cast %get3A_787 : i32 to index
      %get3A_789 = arith.constant 48 : index
      %get3A_790 = tpu.vector_load %arg10[%get3A_788, %get3A_789] {strides = array<i32>} : memref<2x64xi32, #tpu.memory_space<vmem>>, vector<16xi32>,
      %iota3A_791 = tpu.iota {dimensions = array<i32: 0>} : vector<16xi32>
      %add3A_792 = arith.constant 5048 : i32
      %add3A_793 = vector.broadcast %add3A_792 : i32 to vector<16xi32>
      %add3A_794 = arith.addi %iota3A_791, %add3A_793 : vector<16xi32>
      %eq3A_795 = arith.cmpi eq, %get3A_786, %get3A_790 : vector<16xi32>
      %sub3A_796 = vector.broadcast %mul3A_98 : i32 to vector<16xi32>
      %sub3A_797 = arith.subi %get3A_786, %sub3A_796 : vector<16xi32>
      %select_n3A_798 = arith.select %eq3A_795, %add3A_794, %sub3A_797 : vector<16xi1>, vector<16xi32>
      %swap3A_799 = arith.constant 1 : i32
      %swap3A_800 = arith.index_cast %swap3A_799 : i32 to index
      %swap3A_801 = arith.constant 48 : index
      %swap3A_802 = tpu.vector_load %arg9[%swap3A_800, %swap3A_801] {strides = array<i32>} : memref<2x64xi32, #tpu.memory_space<vmem>>, vector<16xi32>,
      tpu.vector_store %arg9[%swap3A_800, %swap3A_801], %select_n3A_798 {strides = array<i32>} : memref<2x64xi32, #tpu.memory_space<vmem>>, vector<16xi32>,
      %dma_start3A_803 = arith.constant 1 : i32
      %dma_start3A_804 = arith.constant 1 : i32
      %dma_start3A_805 = arith.constant 0 : i32
      %dma_start3A_806 = arith.constant 0 : i32
      %dma_start3A_807 = arith.constant 0 : i32
      %dma_start3A_808 = tpu.memref_slice %arg11[%dma_start3A_804, %dma_start3A_805, %dma_start3A_806, %dma_start3A_807] : memref<2x64x2x128xf32, #tpu.memory_space<vmem>> -> memref<1x64x2x128xf32, #tpu.memory_space<vmem>>
      %dma_start3A_809 = tpu.memref_squeeze %dma_start3A_808 : memref<1x64x2x128xf32, #tpu.memory_space<vmem>> -> memref<64x2x128xf32, #tpu.memory_space<vmem>>
      %dma_start3A_810 = arith.constant 0 : i32
      %dma_start3A_811 = tpu.memref_slice %arg10[%dma_start3A_803, %dma_start3A_810] : memref<2x64xi32, #tpu.memory_space<vmem>> -> memref<1x64xi32, #tpu.memory_space<vmem>>
      %dma_start3A_812 = tpu.memref_squeeze %dma_start3A_811 : memref<1x64xi32, #tpu.memory_space<vmem>> -> memref<64xi32, #tpu.memory_space<vmem>>
      %dma_start3A_813 = arith.constant 0 : i32
      %dma_start3A_814 = arith.constant 0 : i32
      %dma_start3A_815 = arith.constant 0 : i32
      %dma_start3A_816 = tpu.memref_slice %arg2[%dma_start3A_813, %dma_start3A_814, %dma_start3A_815] : memref<10000x2x128xf32, #tpu.memory_space<hbm>> -> memref<10000x2x128xf32, #tpu.memory_space<hbm>>
      tpu.enqueue_indirect_dma source(%dma_start3A_816 : memref<10000x2x128xf32, #tpu.memory_space<hbm>>) target(%dma_start3A_809 : memref<64x2x128xf32, #tpu.memory_space<vmem>>) offsets(%dma_start3A_812 : memref<64xi32, #tpu.memory_space<vmem>>) semaphore(%arg14 : memref<!tpu.dma_semaphore, #tpu.memory_space<semaphore_mem>>)
    }
    %dma_wait3A_397 = arith.constant 0 : i32
    %dma_wait3A_398 = arith.constant 0 : i32
    %dma_wait3A_399 = arith.constant 0 : i32
    %dma_wait3A_400 = arith.constant 0 : i32
    %dma_wait3A_401 = arith.constant 0 : i32
    %dma_wait3A_402 = tpu.memref_slice %arg11[%dma_wait3A_398, %dma_wait3A_399, %dma_wait3A_400, %dma_wait3A_401] : memref<2x64x2x128xf32, #tpu.memory_space<vmem>> -> memref<1x64x2x128xf32, #tpu.memory_space<vmem>>
    %dma_wait3A_403 = tpu.memref_squeeze %dma_wait3A_402 : memref<1x64x2x128xf32, #tpu.memory_space<vmem>> -> memref<64x2x128xf32, #tpu.memory_space<vmem>>
    %dma_wait3A_404 = arith.constant 0 : i32
    %dma_wait3A_405 = tpu.memref_slice %arg10[%dma_wait3A_397, %dma_wait3A_404] : memref<2x64xi32, #tpu.memory_space<vmem>> -> memref<1x64xi32, #tpu.memory_space<vmem>>
    %dma_wait3A_406 = tpu.memref_squeeze %dma_wait3A_405 : memref<1x64xi32, #tpu.memory_space<vmem>> -> memref<64xi32, #tpu.memory_space<vmem>>
    %dma_wait3A_407 = arith.constant 0 : i32
    %dma_wait3A_408 = arith.constant 0 : i32
    %dma_wait3A_409 = arith.constant 0 : i32
    %dma_wait3A_410 = tpu.memref_slice %arg2[%dma_wait3A_407, %dma_wait3A_408, %dma_wait3A_409] : memref<10000x2x128xf32, #tpu.memory_space<hbm>> -> memref<10000x2x128xf32, #tpu.memory_space<hbm>>
    tpu.wait_indirect_dma semaphore(%arg13 : memref<!tpu.dma_semaphore, #tpu.memory_space<semaphore_mem>>) src(%dma_wait3A_410 : memref<10000x2x128xf32, #tpu.memory_space<hbm>>) dst(%dma_wait3A_403 : memref<64x2x128xf32, #tpu.memory_space<vmem>>)
    %run_scoped3A = arith.constant 0 : i32
    %run_scoped3A_411 = arith.constant 0 : i32
    "tpu.region"() ({
      %run_scoped3A_432 = tpu.sem_alloc : memref<!tpu.dma_semaphore, #tpu.memory_space<semaphore_mem>>
      %dma_start3A_433 = arith.constant 0 : i32
      %dma_start3A_434 = arith.constant 0 : i32
      %dma_start3A_435 = arith.constant 0 : i32
      %dma_start3A_436 = tpu.memref_slice %arg11[%run_scoped3A, %dma_start3A_433, %dma_start3A_434, %dma_start3A_435] : memref<2x64x2x128xf32, #tpu.memory_space<vmem>> -> memref<1x64x2x128xf32, #tpu.memory_space<vmem>>
      %dma_start3A_437 = tpu.memref_squeeze %dma_start3A_436 : memref<1x64x2x128xf32, #tpu.memory_space<vmem>> -> memref<64x2x128xf32, #tpu.memory_space<vmem>>
      %dma_start3A_438 = arith.constant 0 : i32
      %dma_start3A_439 = tpu.memref_slice %arg9[%run_scoped3A_411, %dma_start3A_438] : memref<2x64xi32, #tpu.memory_space<vmem>> -> memref<1x64xi32, #tpu.memory_space<vmem>>
      %dma_start3A_440 = tpu.memref_squeeze %dma_start3A_439 : memref<1x64xi32, #tpu.memory_space<vmem>> -> memref<64xi32, #tpu.memory_space<vmem>>
      %dma_start3A_441 = arith.constant 0 : i32
      %dma_start3A_442 = arith.constant 0 : i32
      %dma_start3A_443 = arith.constant 0 : i32
      %dma_start3A_444 = tpu.memref_slice %arg8[%dma_start3A_441, %dma_start3A_442, %dma_start3A_443] : memref<5632x2x128xf32, #tpu.memory_space<vmem_shared>> -> memref<5632x2x128xf32, #tpu.memory_space<vmem_shared>>
      tpu.enqueue_indirect_dma source(%dma_start3A_437 : memref<64x2x128xf32, #tpu.memory_space<vmem>>) target(%dma_start3A_444 : memref<5632x2x128xf32, #tpu.memory_space<vmem_shared>>) offsets(%dma_start3A_440 : memref<64xi32, #tpu.memory_space<vmem>>) semaphore(%run_scoped3A_432 : memref<!tpu.dma_semaphore, #tpu.memory_space<semaphore_mem>>) {add = true}
      %dma_wait3A_445 = arith.constant 0 : i32
      %dma_wait3A_446 = arith.constant 0 : i32
      %dma_wait3A_447 = arith.constant 0 : i32
      %dma_wait3A_448 = tpu.memref_slice %arg11[%run_scoped3A, %dma_wait3A_445, %dma_wait3A_446, %dma_wait3A_447] : memref<2x64x2x128xf32, #tpu.memory_space<vmem>> -> memref<1x64x2x128xf32, #tpu.memory_space<vmem>>
      %dma_wait3A_449 = tpu.memref_squeeze %dma_wait3A_448 : memref<1x64x2x128xf32, #tpu.memory_space<vmem>> -> memref<64x2x128xf32, #tpu.memory_space<vmem>>
      %dma_wait3A_450 = arith.constant 0 : i32
      %dma_wait3A_451 = tpu.memref_slice %arg9[%run_scoped3A_411, %dma_wait3A_450] : memref<2x64xi32, #tpu.memory_space<vmem>> -> memref<1x64xi32, #tpu.memory_space<vmem>>
      %dma_wait3A_452 = tpu.memref_squeeze %dma_wait3A_451 : memref<1x64xi32, #tpu.memory_space<vmem>> -> memref<64xi32, #tpu.memory_space<vmem>>
      %dma_wait3A_453 = arith.constant 0 : i32
      %dma_wait3A_454 = arith.constant 0 : i32
      %dma_wait3A_455 = arith.constant 0 : i32
      %dma_wait3A_456 = tpu.memref_slice %arg8[%dma_wait3A_453, %dma_wait3A_454, %dma_wait3A_455] : memref<5632x2x128xf32, #tpu.memory_space<vmem_shared>> -> memref<5632x2x128xf32, #tpu.memory_space<vmem_shared>>
      tpu.wait_indirect_dma semaphore(%run_scoped3A_432 : memref<!tpu.dma_semaphore, #tpu.memory_space<semaphore_mem>>) src(%dma_wait3A_449 : memref<64x2x128xf32, #tpu.memory_space<vmem>>) dst(%dma_wait3A_456 : memref<5632x2x128xf32, #tpu.memory_space<vmem_shared>>)
      tpu.yield
    }) : () -> ()
    %dma_wait3A_412 = arith.constant 1 : i32
    %dma_wait3A_413 = arith.constant 1 : i32
    %dma_wait3A_414 = arith.constant 0 : i32
    %dma_wait3A_415 = arith.constant 0 : i32
    %dma_wait3A_416 = arith.constant 0 : i32
    %dma_wait3A_417 = tpu.memref_slice %arg11[%dma_wait3A_413, %dma_wait3A_414, %dma_wait3A_415, %dma_wait3A_416] : memref<2x64x2x128xf32, #tpu.memory_space<vmem>> -> memref<1x64x2x128xf32, #tpu.memory_space<vmem>>
    %dma_wait3A_418 = tpu.memref_squeeze %dma_wait3A_417 : memref<1x64x2x128xf32, #tpu.memory_space<vmem>> -> memref<64x2x128xf32, #tpu.memory_space<vmem>>
    %dma_wait3A_419 = arith.constant 0 : i32
    %dma_wait3A_420 = tpu.memref_slice %arg10[%dma_wait3A_412, %dma_wait3A_419] : memref<2x64xi32, #tpu.memory_space<vmem>> -> memref<1x64xi32, #tpu.memory_space<vmem>>
    %dma_wait3A_421 = tpu.memref_squeeze %dma_wait3A_420 : memref<1x64xi32, #tpu.memory_space<vmem>> -> memref<64xi32, #tpu.memory_space<vmem>>
    %dma_wait3A_422 = arith.constant 0 : i32
    %dma_wait3A_423 = arith.constant 0 : i32
    %dma_wait3A_424 = arith.constant 0 : i32
    %dma_wait3A_425 = tpu.memref_slice %arg2[%dma_wait3A_422, %dma_wait3A_423, %dma_wait3A_424] : memref<10000x2x128xf32, #tpu.memory_space<hbm>> -> memref<10000x2x128xf32, #tpu.memory_space<hbm>>
    tpu.wait_indirect_dma semaphore(%arg14 : memref<!tpu.dma_semaphore, #tpu.memory_space<semaphore_mem>>) src(%dma_wait3A_425 : memref<10000x2x128xf32, #tpu.memory_space<hbm>>) dst(%dma_wait3A_418 : memref<64x2x128xf32, #tpu.memory_space<vmem>>)
    %run_scoped3A_426 = arith.constant 1 : i32
    %run_scoped3A_427 = arith.constant 1 : i32
    "tpu.region"() ({
      %run_scoped3A_432 = tpu.sem_alloc : memref<!tpu.dma_semaphore, #tpu.memory_space<semaphore_mem>>
      %dma_start3A_433 = arith.constant 0 : i32
      %dma_start3A_434 = arith.constant 0 : i32
      %dma_start3A_435 = arith.constant 0 : i32
      %dma_start3A_436 = tpu.memref_slice %arg11[%run_scoped3A_426, %dma_start3A_433, %dma_start3A_434, %dma_start3A_435] : memref<2x64x2x128xf32, #tpu.memory_space<vmem>> -> memref<1x64x2x128xf32, #tpu.memory_space<vmem>>
      %dma_start3A_437 = tpu.memref_squeeze %dma_start3A_436 : memref<1x64x2x128xf32, #tpu.memory_space<vmem>> -> memref<64x2x128xf32, #tpu.memory_space<vmem>>
      %dma_start3A_438 = arith.constant 0 : i32
      %dma_start3A_439 = tpu.memref_slice %arg9[%run_scoped3A_427, %dma_start3A_438] : memref<2x64xi32, #tpu.memory_space<vmem>> -> memref<1x64xi32, #tpu.memory_space<vmem>>
      %dma_start3A_440 = tpu.memref_squeeze %dma_start3A_439 : memref<1x64xi32, #tpu.memory_space<vmem>> -> memref<64xi32, #tpu.memory_space<vmem>>
      %dma_start3A_441 = arith.constant 0 : i32
      %dma_start3A_442 = arith.constant 0 : i32
      %dma_start3A_443 = arith.constant 0 : i32
      %dma_start3A_444 = tpu.memref_slice %arg8[%dma_start3A_441, %dma_start3A_442, %dma_start3A_443] : memref<5632x2x128xf32, #tpu.memory_space<vmem_shared>> -> memref<5632x2x128xf32, #tpu.memory_space<vmem_shared>>
      tpu.enqueue_indirect_dma source(%dma_start3A_437 : memref<64x2x128xf32, #tpu.memory_space<vmem>>) target(%dma_start3A_444 : memref<5632x2x128xf32, #tpu.memory_space<vmem_shared>>) offsets(%dma_start3A_440 : memref<64xi32, #tpu.memory_space<vmem>>) semaphore(%run_scoped3A_432 : memref<!tpu.dma_semaphore, #tpu.memory_space<semaphore_mem>>) {add = true}
      %dma_wait3A_445 = arith.constant 0 : i32
      %dma_wait3A_446 = arith.constant 0 : i32
      %dma_wait3A_447 = arith.constant 0 : i32
      %dma_wait3A_448 = tpu.memref_slice %arg11[%run_scoped3A_426, %dma_wait3A_445, %dma_wait3A_446, %dma_wait3A_447] : memref<2x64x2x128xf32, #tpu.memory_space<vmem>> -> memref<1x64x2x128xf32, #tpu.memory_space<vmem>>
      %dma_wait3A_449 = tpu.memref_squeeze %dma_wait3A_448 : memref<1x64x2x128xf32, #tpu.memory_space<vmem>> -> memref<64x2x128xf32, #tpu.memory_space<vmem>>
      %dma_wait3A_450 = arith.constant 0 : i32
      %dma_wait3A_451 = tpu.memref_slice %arg9[%run_scoped3A_427, %dma_wait3A_450] : memref<2x64xi32, #tpu.memory_space<vmem>> -> memref<1x64xi32, #tpu.memory_space<vmem>>
      %dma_wait3A_452 = tpu.memref_squeeze %dma_wait3A_451 : memref<1x64xi32, #tpu.memory_space<vmem>> -> memref<64xi32, #tpu.memory_space<vmem>>
      %dma_wait3A_453 = arith.constant 0 : i32
      %dma_wait3A_454 = arith.constant 0 : i32
      %dma_wait3A_455 = arith.constant 0 : i32
      %dma_wait3A_456 = tpu.memref_slice %arg8[%dma_wait3A_453, %dma_wait3A_454, %dma_wait3A_455] : memref<5632x2x128xf32, #tpu.memory_space<vmem_shared>> -> memref<5632x2x128xf32, #tpu.memory_space<vmem_shared>>
      tpu.wait_indirect_dma semaphore(%run_scoped3A_432 : memref<!tpu.dma_semaphore, #tpu.memory_space<semaphore_mem>>) src(%dma_wait3A_449 : memref<64x2x128xf32, #tpu.memory_space<vmem>>) dst(%dma_wait3A_456 : memref<5632x2x128xf32, #tpu.memory_space<vmem_shared>>)
      tpu.yield
    }) : () -> ()
    %barrier3A_428 = arith.constant 0 : index
    tpu.barrier barrier_id(%barrier3A_428)
    %mul3A_429 = arith.constant 5632 : i32
    %mul3A_430 = arith.muli %arg0, %mul3A_429 : i32
    %add3A_431 = arith.addi %mul3A_430, %mul3A_0 : i32
    "tpu.region"() ({
      %run_scoped3A_432 = tpu.sem_alloc : memref<!tpu.dma_semaphore, #tpu.memory_space<semaphore_mem>>
      %dma_start3A_433 = arith.constant 0 : i32
      %dma_start3A_434 = arith.constant 0 : i32
      %dma_start3A_435 = tpu.memref_slice %arg7[%add3A_431, %dma_start3A_433, %dma_start3A_434] : memref<11264x2x128xf32, #tpu.memory_space<hbm>> -> memref<352x2x128xf32, #tpu.memory_space<hbm>>
      %dma_start3A_436 = arith.constant 0 : i32
      %dma_start3A_437 = arith.constant 0 : i32
      %dma_start3A_438 = tpu.memref_slice %arg8[%mul3A_0, %dma_start3A_436, %dma_start3A_437] : memref<5632x2x128xf32, #tpu.memory_space<vmem_shared>> -> memref<352x2x128xf32, #tpu.memory_space<vmem_shared>>
      tpu.enqueue_dma source(%dma_start3A_438 : memref<352x2x128xf32, #tpu.memory_space<vmem_shared>>) target(%dma_start3A_435 : memref<352x2x128xf32, #tpu.memory_space<hbm>>) target_semaphore(%run_scoped3A_432 : memref<!tpu.dma_semaphore, #tpu.memory_space<semaphore_mem>>)
      %dma_wait3A_439 = arith.constant 0 : i32
      %dma_wait3A_440 = arith.constant 0 : i32
      %dma_wait3A_441 = tpu.memref_slice %arg7[%add3A_431, %dma_wait3A_439, %dma_wait3A_440] : memref<11264x2x128xf32, #tpu.memory_space<hbm>> -> memref<352x2x128xf32, #tpu.memory_space<hbm>>
      %dma_wait3A_442 = arith.constant 0 : i32
      %dma_wait3A_443 = arith.constant 0 : i32
      %dma_wait3A_444 = tpu.memref_slice %arg8[%mul3A_0, %dma_wait3A_442, %dma_wait3A_443] : memref<5632x2x128xf32, #tpu.memory_space<vmem_shared>> -> memref<352x2x128xf32, #tpu.memory_space<vmem_shared>>
      tpu.wait_dma2 semaphore(%run_scoped3A_432 : memref<!tpu.dma_semaphore, #tpu.memory_space<semaphore_mem>>) src(%dma_wait3A_444 : memref<352x2x128xf32, #tpu.memory_space<vmem_shared>>) dst(%dma_wait3A_441 : memref<352x2x128xf32, #tpu.memory_space<hbm>>)
      tpu.yield
    }) : () -> ()
    return
  }
}

module attributes {stable_mosaic.version = 14 : i64} {
  func.func @body(%arg0: i32, %arg1: memref<1024x256xf32, #tpu.memory_space<vmem>>, %arg2: memref<256x256xf32, #tpu.memory_space<vmem>>, %arg3: memref<1x256xf32, #tpu.memory_space<vmem>>, %arg4: memref<256x256xf32, #tpu.memory_space<vmem>>, %arg5: memref<1x256xf32, #tpu.memory_space<vmem>>, %arg6: memref<1024x256xf32, #tpu.memory_space<vmem>>) attributes {dimension_semantics = [#tpu.dimension_semantics<arbitrary>], iteration_bounds = array<i64: 11>, scalar_prefetch = 0 : i64, scratch_operands = 0 : i64, tpu.core_type = #tpu.core_type<tc>, window_params = [{transform_indices = @transform_0, window_bounds = array<i64: 1024, 256>}, {pipeline_mode = #tpu.pipeline_mode<synchronous>, transform_indices = @transform_1, window_bounds = array<i64: 256, 256>}, {pipeline_mode = #tpu.pipeline_mode<synchronous>, transform_indices = @transform_2, window_bounds = array<i64: 1, 256>}, {pipeline_mode = #tpu.pipeline_mode<synchronous>, transform_indices = @transform_3, window_bounds = array<i64: 256, 256>}, {pipeline_mode = #tpu.pipeline_mode<synchronous>, transform_indices = @transform_4, window_bounds = array<i64: 1, 256>}, {transform_indices = @transform_5, window_bounds = array<i64: 1024, 256>}]} {
    %get3A = arith.constant 0 : index
    %get3A_0 = arith.constant 0 : index
    %get3A_1 = vector.load %arg1[%get3A, %get3A_0] : memref<1024x256xf32, #tpu.memory_space<vmem>>, vector<1024x256xf32>
    %get3A_2 = arith.constant 0 : index
    %get3A_3 = arith.constant 0 : index
    %get3A_4 = vector.load %arg2[%get3A_2, %get3A_3] : memref<256x256xf32, #tpu.memory_space<vmem>>, vector<256x256xf32>
    %dot_general3A = arith.constant dense<0.000000e+00> : vector<1024x256xf32>
    %dot_general3A_5 = tpu.matmul %get3A_1, %get3A_4, %dot_general3A {dimension_numbers = #tpu.dot_dimension_numbers<[1], [0], [0], [1], [0, 0, 1, 1], [], []>, transpose_lhs_hint = false} : vector<1024x256xf32>, vector<256x256xf32>, vector<1024x256xf32> -> vector<1024x256xf32>
    %get3A_6 = arith.constant 0 : index
    %get3A_7 = arith.constant 0 : index
    %get3A_8 = vector.load %arg3[%get3A_6, %get3A_7] : memref<1x256xf32, #tpu.memory_space<vmem>>, vector<1x256xf32>
    %add3A = vector.broadcast %get3A_8 : vector<1x256xf32> to vector<1024x256xf32>
    %add3A_9 = arith.addf %dot_general3A_5, %add3A : vector<1024x256xf32>
    %max3A = arith.constant 0.000000e+00 : f32
    %max3A_10 = vector.broadcast %max3A : f32 to vector<1024x256xf32>
    %max3A_11 = arith.maximumf %add3A_9, %max3A_10 : vector<1024x256xf32>
    %get3A_12 = arith.constant 0 : index
    %get3A_13 = arith.constant 0 : index
    %get3A_14 = vector.load %arg4[%get3A_12, %get3A_13] : memref<256x256xf32, #tpu.memory_space<vmem>>, vector<256x256xf32>
    %dot_general3A_15 = arith.constant dense<0.000000e+00> : vector<1024x256xf32>
    %dot_general3A_16 = tpu.matmul %max3A_11, %get3A_14, %dot_general3A_15 {dimension_numbers = #tpu.dot_dimension_numbers<[1], [0], [0], [1], [0, 0, 1, 1], [], []>, transpose_lhs_hint = false} : vector<1024x256xf32>, vector<256x256xf32>, vector<1024x256xf32> -> vector<1024x256xf32>
    %get3A_17 = arith.constant 0 : index
    %get3A_18 = arith.constant 0 : index
    %get3A_19 = vector.load %arg5[%get3A_17, %get3A_18] : memref<1x256xf32, #tpu.memory_space<vmem>>, vector<1x256xf32>
    %add3A_20 = vector.broadcast %get3A_19 : vector<1x256xf32> to vector<1024x256xf32>
    %add3A_21 = arith.addf %dot_general3A_16, %add3A_20 : vector<1024x256xf32>
    %swap3A = arith.constant 0 : index
    %swap3A_22 = arith.constant 0 : index
    %swap3A_23 = vector.load %arg6[%swap3A, %swap3A_22] : memref<1024x256xf32, #tpu.memory_space<vmem>>, vector<1024x256xf32>
    tpu.vector_store %arg6[%swap3A, %swap3A_22], %add3A_21 {strides = array<i32>} : memref<1024x256xf32, #tpu.memory_space<vmem>>, vector<1024x256xf32>,
    return
  }
  func.func @transform_0(%arg0: i32) -> (i32, i32) {
    %c0_i32 = arith.constant 0 : i32
    %c0_i32_0 = arith.constant 0 : i32
    return %arg0, %c0_i32 : i32, i32
  }
  func.func @transform_1(%arg0: i32) -> (i32, i32) {
    %c0_i32 = arith.constant 0 : i32
    %c0_i32_0 = arith.constant 0 : i32
    %c0_i32_1 = arith.constant 0 : i32
    return %c0_i32, %c0_i32_0 : i32, i32
  }
  func.func @transform_2(%arg0: i32) -> (i32, i32) {
    %c0_i32 = arith.constant 0 : i32
    %c0_i32_0 = arith.constant 0 : i32
    %c0_i32_1 = arith.constant 0 : i32
    return %c0_i32, %c0_i32_0 : i32, i32
  }
  func.func @transform_3(%arg0: i32) -> (i32, i32) {
    %c0_i32 = arith.constant 0 : i32
    %c0_i32_0 = arith.constant 0 : i32
    %c0_i32_1 = arith.constant 0 : i32
    return %c0_i32, %c0_i32_0 : i32, i32
  }
  func.func @transform_4(%arg0: i32) -> (i32, i32) {
    %c0_i32 = arith.constant 0 : i32
    %c0_i32_0 = arith.constant 0 : i32
    %c0_i32_1 = arith.constant 0 : i32
    return %c0_i32, %c0_i32_0 : i32, i32
  }
  func.func @transform_5(%arg0: i32) -> (i32, i32) {
    %c0_i32 = arith.constant 0 : i32
    %c0_i32_0 = arith.constant 0 : i32
    return %arg0, %c0_i32 : i32, i32
  }
}

</mosaic_0001>

<sc_bundles>
// kernel: kernel.4.cloned.1.call-start
scs
__scs_entry_jumppad:
0x0: {  	(pc) =	sbr.rel $0x88, $3  }
0x1: {  	(tag) =	ssettag $0x0;
	lr =	simm.s32 $0x1  }
0x2: {  	[smem:$0x3F9B] =	sst lr;
	_ =	strace $0xD0000000  }
0x3: {  	_ = 	snop  }
0x4: {  	_ = 	snop  }
0x5: {  	_ = 	snop  }
0x6: {  	_ = 	snop  }
0x7: {  	_ = 	snop  }
__scs_overlays_trampoline_lowered:
0x8: {  	[smem:$0x3FAA] =	sst s0  }
0x9: {  	[smem:$0x3FAB] =	sst s1  }
0xa: {  	[smem:$0x3FAC] =	sst s2  }
0xb: {  	[smem:$0x3FAD] =	sst s3  }
0xc: {  	[smem:$0x3FAE] =	sst s4  }
0xd: {  	[smem:$0x3FAF] =	sst s5  }
0xe: {  	[smem:$0x3FB0] =	sst s6  }
0xf: {  	[smem:$0x3FB1] =	sst s7  }
0x10: {  	[smem:$0x3FB2] =	sst s8  }
0x11: {  	[smem:$0x3FB3] =	sst s9;
	s0 =	simm.s32 @!p0 $0x0  }
0x12: {  	s1 =	sld [smem:$0x3F99];
	s0 =	simm.s32 @p0 $0x1  }
0x13: {  	[smem:$0x3FB4] =	sst s0;
	s0 =	simm.s32 @!p1 $0x0  }
0x14: {  	s2 =	sld [smem:$0x3F98];
	s0 =	simm.s32 @p1 $0x1  }
0x15: {  	[smem:$0x3FB5] =	sst s0;
	s0 =	simm.s32 @!p2 $0x0  }
0x16: {  	s3 =	sld [smem:$0x3FDB];
	s0 =	simm.s32 @p2 $0x1  }
0x17: {  	s4 =	simm.s32 $0x1BF5;
	[smem:$0x3FB7] =	sst s0  }
0x18: {  	s0 =	sld [smem:$0x3F9A];
	_ =	swait.ge [sflag:s4], $0x0  }
0x19: {  	s7 =	sld [smem:$0x3F9B]  }
0x1a: {  	s8 =	sadd.s32 $0xFFFFE003, lr  }
0x1b: {  	s9 =	sadd.s32 $0xFFFFFEF7, lr;
	s5 =	simm.s32 $0xFFFFFFFF;
	p2 =	slt.u32 s8, $0xFFFFF086  }
0x1c: {  	p1 =	slt.u32 s9, $0xF7A;
	s5 =	simm.s32 @!p2 $0x0  }
0x1d: {  	s5 =	simm.s32 @p1 $0x1;
	p0 =	seq.s32 s7, s2  }
0x1e: {  	s7 =	smul.u32 @!p0 $0xF7A, s2;
	p2 =	seq.s32 @!p0 s5, $0x0  }
0x1f: {  	s9 =	smul.u32 $0xF7A, s1;
	s8 =	simm.s32 @!p0 $0x1BF5;
	p2 =	por !p2, p0  }
0x20: {  	[sflag:s8] =	ssyncset.s32 @!p0 $0xFFFFF086;
	s6 =	sadd.s32 @!p0 s3, s7;
	s7 =	simm.s32 @!p0 $0x108  }
0x21: {  	s3 =	sadd.s32 s3, s9;
	s6 =	sadd.s32 @!p0 $0x88, s6;
	s7 =	simm.s32 @p2 $0x1082  }
0x22: {  	[simem:s7], [sflag:s8] =	dma.local @!p0 [hbm:s6], $0xF7A  }
0x23: {  	s9 =	sor.u32 $0xD0000000, s2;
	s6 =	simm.s32 $0x108;
	_ =	swait.ge @!p0 [sflag:s8], $0x0  }
0x24: {  	s3 =	sadd.s32 $0x88, s3;
	s6 =	simm.s32 @!p1 $0x1082;
	[sflag:s4] =	ssyncset.s32 $0xFFFFF086  }
0x25: {  	[simem:s6], [sflag:s4] =	dma.local [hbm:s3], $0xF7A  }
0x26: {  	[smem:$0x3F9B] =	sst s1;
	(tag) =	ssettag s2;
	_ =	strace s9  }
0x27: {  	s1 =	sld [smem:$0x3FAB]  }
0x28: {  	s2 =	sld [smem:$0x3FAC]  }
0x29: {  	s4 =	sld [smem:$0x3FAE]  }
0x2a: {  	p0 =	seq.s32 s5, $0x0;
	s5 =	sld [smem:$0x3FAF]  }
0x2b: {  	s6 =	sld [smem:$0x3FB0]  }
0x2c: {  	s7 =	sld [smem:$0x3FB1]  }
0x2d: {  	s3 =	simm.s32 $0x108;
	s8 =	sld [smem:$0x3FB2]  }
0x2e: {  	s3 =	simm.s32 @!p0 $0x1082;
	s9 =	sld [smem:$0x3FB3]  }
0x2f: {  	lr =	sadd.s32 s0, s3;
	s0 =	sld [smem:$0x3FAA]  }
0x30: {  	s3 =	sld [smem:$0x3FAD]  }
0x31: {  	[smem:$0x3FB6] =	sst s10  }
0x32: {  	s10 =	sld [smem:$0x3FB4];
	_ =	sdelay $0x3  }
0x33: {  	p0 =	seq.s32 s10, $0x1;
	s10 =	sld [smem:$0x3FB6];
	_ =	sdelay $0x3  }
0x34: {  	[smem:$0x3FB6] =	sst s10  }
0x35: {  	s10 =	sld [smem:$0x3FB5];
	_ =	sdelay $0x3  }
0x36: {  	p1 =	seq.s32 s10, $0x1;
	s10 =	sld [smem:$0x3FB6];
	_ =	sdelay $0x3  }
0x37: {  	[smem:$0x3FB6] =	sst s10  }
0x38: {  	s10 =	sld [smem:$0x3FB7]  }
0x39: {  	_ = 	snop;
	(pc) =	sbr.ind lr, $3  }
0x3a: {  	_ = 	snop  }
0x3b: {  	_ = 	snop  }
0x3c: {  	p2 =	seq.s32 s10, $0x1;
	s10 =	sld [smem:$0x3FB6]  }
0x3d: {  	_ =	shalt  }
0x3e: {  	_ =	shalt  }
0x3f: {  	_ =	shalt  }
0x40: {  	_ =	shalt  }
0x41: {  	_ =	shalt  }
0x42: {  	_ =	shalt  }
0x43: {  	_ =	shalt  }
0x44: {  	_ =	shalt  }
0x45: {  	_ =	shalt  }
0x46: {  	_ =	shalt  }
0x47: {  	_ =	shalt  }
0x48: {  	_ =	shalt  }
0x49: {  	_ =	shalt  }
0x4a: {  	_ =	shalt  }
0x4b: {  	_ =	shalt  }
0x4c: {  	_ =	shalt  }
0x4d: {  	_ =	shalt  }
0x4e: {  	_ =	shalt  }
0x4f: {  	_ =	shalt  }
0x50: {  	_ =	shalt  }
0x51: {  	_ =	shalt  }
0x52: {  	_ =	shalt  }
0x53: {  	_ =	shalt  }
0x54: {  	_ =	shalt  }
0x55: {  	_ =	shalt  }
0x56: {  	_ =	shalt  }
0x57: {  	_ =	shalt  }
0x58: {  	_ =	shalt  }
0x59: {  	_ =	shalt  }
0x5a: {  	_ =	shalt  }
0x5b: {  	_ =	shalt  }
0x5c: {  	_ =	shalt  }
0x5d: {  	_ =	shalt  }
0x5e: {  	_ =	shalt  }
0x5f: {  	_ =	shalt  }
0x60: {  	_ =	shalt  }
0x61: {  	_ =	shalt  }
0x62: {  	_ =	shalt  }
0x63: {  	_ =	shalt  }
0x64: {  	_ =	shalt  }
0x65: {  	_ =	shalt  }
0x66: {  	_ =	shalt  }
0x67: {  	_ =	shalt  }
0x68: {  	_ =	shalt  }
0x69: {  	_ =	shalt  }
0x6a: {  	_ =	shalt  }
0x6b: {  	_ =	shalt  }
0x6c: {  	_ =	shalt  }
0x6d: {  	_ =	shalt  }
0x6e: {  	_ =	shalt  }
0x6f: {  	_ =	shalt  }
0x70: {  	_ =	shalt  }
0x71: {  	_ =	shalt  }
0x72: {  	_ =	shalt  }
0x73: {  	_ =	shalt  }
0x74: {  	_ =	shalt  }
0x75: {  	_ =	shalt  }
0x76: {  	_ =	shalt  }
0x77: {  	_ =	shalt  }
0x78: {  	_ =	shalt  }
0x79: {  	_ =	shalt  }
0x7a: {  	_ =	shalt  }
0x7b: {  	_ =	shalt  }
0x7c: {  	_ =	shalt  }
0x7d: {  	_ =	shalt  }
0x7e: {  	_ =	shalt  }
0x7f: {  	_ =	shalt  }
0x80: {  	_ =	shalt  }
0x81: {  	_ =	shalt  }
0x82: {  	_ =	shalt  }
0x83: {  	_ =	shalt  }
0x84: {  	_ =	shalt  }
0x85: {  	_ =	shalt  }
0x86: {  	_ =	shalt  }
0x87: {  	_ =	shalt  }
.Lfunc_end0:
.L_simem_size_0:
called_computation_lowered:
.L_overlay_start_0:
0x88: {  	s2 =	sld [smem:$0x3FD9]  }
0x89: {  	s3 =	sld [smem:$0x3FFE];
	_ =	sdelay $0x1  }
0x8a: {  	s1 =	srdreg.scid  }
0x8b: {  	s0 =	sand.u32 $0x1, s1  }
0x8c: {  	s17 =	sshll.u32 s0, $0xA;
	s2 =	sadd.s32 s3, s2  }
0x8d: {  	s2 =	sadd.s32 s2, s17  }
0x8e: {  	[smem:$0x3FC2] =	sst s2  }
0x8f: {  	_ = 	snop  }
0x90: {  	s2 =	sld [smem:$0x3FD0];
	(tm) =	ssettm $0x1  }
0x91: {  	s18 =	sld [smem:$0x3FFB];
	_ =	sdelay $0x3  }
0x92: {  	_ =	strace s18  }
0x93: {  	s3 =	sld [smem:$0x3FFC];
	_ =	sdelay $0x3  }
0x94: {  	_ =	strace s3  }
0x95: {  	s3 =	sld [smem:$0x3FFD];
	_ =	sdelay $0x3  }
0x96: {  	_ =	strace s3  }
0x97: {  	_ =	strace $0x8FFFFFFF  }
0x98: {  	s19 =	sld [smem:$0x3FDB];
	_ =	sdelay $0x1  }
0x99: {  	s4 =	simm.s32 $_scs_section_size  }
0x9a: {  	s5 =	simm.s32 $_size__tile_overlayer_lowered;
	s6 =	simm.s32 $_tile_overlayer_lowered  }
0x9b: {  	s22 =	simm.s32 $0x1BFF;
	s21 =	sshll.u32 s6, $0x1;
	s3 =	sadd.s32 s4, s19  }
0x9c: {  	s7 =	simm.s32 $0x0;
	s20 =	sshll.u32 s5, $0x1;
	s5 =	sadd.s32 s21, s3  }
0x9d: {  	[timem:s7], [sflag:s22] =	dma.local [hbm:s5], s20  }
0x9e: {  	_ =	swait.ge [sflag:s22], s20  }
0x9f: {  	s4 =	ssub.s32 $0x0, s20;
	[sflag:s22] =	ssyncset.done $0x0  }
0xa0: {  	[sflag:s22] =	ssyncadd.s32 s4;
	_ =	sdelay $0x1  }
0xa1: {  	s23 =	simm.s32 $0x1B8B  }
0xa2: {  	_ =	swait.ge [sflag:s23], $0x1  }
0xa3: {  	[sflag:s23] =	ssyncset.done $0x0  }
0xa4: {  	s25 =	simm.s32 $0x1B8E;
	s24 =	sld [smem:$0x3FFE];
	[sflag:s23] =	ssyncadd.s32 $0xFFFFFFFF  }
0xa5: {  	s26 =	simm.s32 $execute0_lowered;
	[smem:$0x3FD2] =	sst s25  }
0xa6: {  	s5 =	sshll.u32 s26, $0x1;
	_ =	strace $0x80000046;
	[dreg:$0x1] =	wrdreg $0xFFFFFFFF  }
0xa7: {  	s28 =	simm.s32 $_size_execute0_lowered;
	s3 =	sadd.s32 s3, s5;
	[dreg:$0x0] =	wrdreg $0x0  }
0xa8: {  	s5 =	sshll.u32 s28, $0x1;
	[dreg:$0x2] =	wrdreg s3  }
0xa9: {  	[dreg:$0x3] =	wrdreg s5  }
0xaa: {  	[dreg:$0x4] =	wrdreg $0xC0  }
0xab: {  	_ =	task [dreg:s7], $0x5FFFF  }
0xac: {  	[dreg:$0x1] =	wrdreg $0xFFFFFFFF  }
0xad: {  	[dreg:$0x0] =	wrdreg $0x60  }
0xae: {  	[dreg:$0x2] =	wrdreg s2  }
0xaf: {  	[dreg:$0x3] =	wrdreg s24  }
0xb0: {  	[dreg:$0x4] =	wrdreg $0x0  }
0xb1: {  	[dreg:$0x5] =	wrdreg $0x9  }
0xb2: {  	_ =	task.clear_ibuf [dreg:s7], $0x6FFFF;
	_ =	strace $0x90000046  }
0xb3: {  	s29 =	simm.s32 $0x9;
	_ =	strace $0x80000048  }
0xb4: {  	_ =	swait.ge [sflag:s29], $0x1  }
0xb5: {  	[sflag:s29] =	ssyncadd.s32 $0xFFFFFFFF  }
0xb6: {  	_ =	strace $0x90000048  }
0xb7: {  	_ =	sfence  }
0xb8: {  	s30 =	sld [smem:$0x0];
	_ =	sdelay $0x2  }
0xb9: {  	s31 =	sshll.u32 s1, $0xD;
	s1 =	sshrl.u32 s1, $0x2  }
0xba: {  	s3 =	sand.u32 $0x4000, s31;
	s1 =	sadd.s32 s1, s30  }
0xbb: {  	s0 =	sor.u32 s3, s0;
	s1 =	sshll.u32 s1, $0x11  }
0xbc: {  	s0 =	sor.u32 s1, s0  }
0xbd: {  	s0 =	sadd.s32 $0x8F2B, s0  }
0xbe: {  	[sflag:s0] =	ssyncadd.remote.s32 $0x1  }
0xbf: {  	_ =	sfence.sel $0xFFFF  }
0xc0: {  	[dreg:$0x0] =	wrdreg $0xFFFFFFFF;
	(pc) =	sbr.abs _section_cstart, $3  }
0xc1: {  	[dreg:$0x1] =	wrdreg $0xFFFFFFFF  }
0xc2: {  	_ =	task.clear_ibuf [dreg:s7], $0x2FFFF;
	_ =	strace $0x9FFFFFFF  }
0xc3: {  	(tm) =	ssettm $0x7FFFFFFF  }
tec
execute0_lowered:
.L_overlay_start_1:
0x0: {  	(tag) =	ssettag $0x1  }
0x1: {  	s1 =	rddreg [dreg:$0x0]  }
0x2: {  	s2 =	rddreg [dreg:$0x1]  }
0x3: {  	s3 =	rddreg [dreg:$0x2];
	s0 =	srdreg.scid  }
0x4: {  	s5 =	simm.s32 $0x0;
	s11 =	stileid.u32;
	s17 =	simm.s32 $0x7  }
0x5: {  	s18 =	simm.s32 $0x1;
	s19 =	simm.s32 $0x3;
	s20 =	simm.s32 $0x16000  }
0x6: {  	s28 =	simm.s32 $0x6;
	s29 =	simm.s32 $0x1A200;
	s30 =	simm.s32 $0x2  }
0x7: {  	s31 =	simm.s32 $0x4;
	s0 =	sand.u32 $0x1, s0;
	s7 =	smul.u32 $0x160, s11  }
0x8: {  	[smem:$0x7FF] =	sst s5;
	s6 =	sadd.s32 $0x9E00, s2;
	s9 =	smul.u32 $0x58000, s11  }
0x9: {  	s4 =	smul.u32 $0x1600, s0;
	s8 =	sshll.u32 s0, $0x4;
	s21 =	ssub.s32 $0x2, s0  }
0xa: {  	_ =	strace $0x80000047;
	s10 =	sadd.s32 s8, s2;
	s22 =	sshrl.u32 s21, $0x1  }
0xb: {  	s23 =	sshrl.u32 s9, $0x2;
	s8 =	sshll.u32 s11, $0x6;
	s11 =	smul.u32 $0x27800, s0  }
0xc: {  	s0 =	smul.u32 $0x1388, s0;
	s4 =	sadd.s32 s7, s4;
	s13 =	ssub.s32 s21, s22  }
0xd: {  	s14 =	sadd.s32 s23, s3;
	s25 =	sor.u32 $0x1C03, s8;
	s10 =	sadd.s32 $0x6BC00, s10  }
0xe: {  	s21 =	simm.s32 $0x16100;
	s22 =	simm.s32 $0x5;
	s23 =	simm.s32 $0x40  }
.Ltmp0:
0xf: {  	s4 =	sshll.u32 s4, $0x5;
	[dreg:$0x5] =	wrdreg s25;
	(pc) =	sbr.rel .LBB2_1-.Ltmp0, $4  }
0x10: {  	s13 =	smax.u32 s13, $0x1;
	s26 =	sor.u32 $0xC0, s11;
	s15 =	sshrl.u32 s14, $0x3  }
0x11: {  	v4 =	vlaneseq.u32;
	s25 =	simm.s32 $0x16080;
	v0 =	vmov s0;
	s0 =	simm.s32 $0x0;
	s4 =	sadd.s32 s4, s2  }
0x12: {  	v1 =	vadd.s32 $0x1388, v4;
	[dreg:$0x6] =	wrdreg s26;
	s26 =	simm.s32 $0x16180;
	s24 =	sadd.s32 $0x13C00, s4  }
0x13: {  	v2 =	vadd.s32 $0x1398, v4;
	v3 =	vadd.s32 $0x13A8, v4;
	v4 =	vadd.s32 $0x13B8, v4;
	s12 =	sadd.s32 $0x6BE00, s4;
	[dreg:$0x4] =	wrdreg s24;
	s24 =	simm.s32 $0x16200  }
.LBB2_4:
0x14: {  	v6 =	vld [tilespmem:$0x161B0]  }
0x15: {  	v7 =	vld [tilespmem:$0x16090]  }
0x16: {  	v8 =	vld [tilespmem:$0x16190]  }
0x17: {  	v9 =	vld [tilespmem:$0x160A0]  }
0x18: {  	v10 =	vld [tilespmem:$0x161A0]  }
0x19: {  	v11 =	vld [tilespmem:$0x16080]  }
0x1a: {  	v12 =	vld [tilespmem:$0x16180];
	_ =	sdelay $0x1  }
0x1b: {  	vm0 =	veq.s32 v7, v8;
	v7 =	vsub.s32 v7, v0  }
0x1c: {  	vm14 =	veq.s32 v5, v6;
	v5 =	vsub.s32 v5, v0;
	v7 =	vsel vm0, v2, v7  }
0x1d: {  	v6 =	vsub.s32 v9, v0;
	vm1 =	veq.s32 v9, v10;
	v5 =	vsel vm14, v4, v5;
	[tilespmem:$0x16090] =	vst v7  }
0x1e: {  	vm15 =	veq.s32 v11, v12;
	v6 =	vsel vm1, v3, v6;
	v7 =	vsub.s32 v11, v0;
	[tilespmem:$0x160B0] =	vst v5  }
0x1f: {  	[tilespmem:$0x160A0] =	vst v6;
	v5 =	vsel vm15, v1, v7  }
0x20: {  	[tilespmem:$0x16080] =	vst v5  }
0x21: {  	[tilespmem:s29], [sflag:$0x2] =	stream.indirect.gather [hbm4b:s1+s23], $0x100, s26, s23, $0xb8;
	[tilespmem:$0x1E280] =	vst v63  }
.LBB2_5:
0x22: {  	_ =	swait.ge [sflag:s18], $0x4000  }
0x23: {  	[sflag:s18] =	ssyncset.done $0x0  }
0x24: {  	[sflag:s18] =	ssyncadd.s32 $0xFFFFC000  }
0x25: {  	[spmem:s3] =	stream.indirect.scatter.add.f32 [tilespmem:s24], [sflag:$0x7], $0x100, s20, s23, $0xb8;
	[tilespmem:$0x1E280] =	vst v63  }
0x26: {  	_ =	swait.ge [sflag:s17], $0x4000  }
0x27: {  	[sflag:s17] =	ssyncset.done $0x0  }
0x28: {  	[sflag:s17] =	ssyncadd.s32 $0xFFFFC000  }
0x29: {  	_ =	swait.ge [sflag:s30], $0x4000  }
0x2a: {  	[sflag:s30] =	ssyncset.done $0x0  }
0x2b: {  	[sflag:s30] =	ssyncadd.s32 $0xFFFFC000  }
0x2c: {  	[spmem:s3] =	stream.indirect.scatter.add.f32 [tilespmem:s29], [sflag:$0x7], $0x100, s25, s23, $0xb8;
	[tilespmem:$0x1E280] =	vst v63  }
0x2d: {  	_ =	swait.ge [sflag:s17], $0x4000  }
0x2e: {  	s0 =	sadd.s32 $0x1, s0;
	[sflag:s17] =	ssyncset.done $0x0  }
0x2f: {  	p0 =	sne.s32 s0, s13;
	[sflag:s17] =	ssyncadd.s32 $0xFFFFC000  }
.Ltmp1:
0x30: {  	s4 =	sor.u32 $0x1C07, s8;
	[bflag:$0x0] =	sbarrier.arrive $0xFFFF;
	(pc) =	sbr.rel @!p0 .LBB2_6-.Ltmp1, $4  }
0x31: {  	[hbm:s12], [sflag:s4] =	dma.local [spmem:s15], $0x2C00  }
0x32: {  	_ =	swait.ge [sflag:s17], $0x2C00  }
0x33: {  	[sflag:s17] =	ssyncset.done $0x0  }
0x34: {  	[sflag:s17] =	ssyncadd.s32 $0xFFFFD400  }
.LBB2_1:
0x35: {  	s4 =	rddreg [dreg:$0x4]  }
0x36: {  	s7 =	rddreg [dreg:$0x5];
	s14 =	simm.s32 $0x1E200  }
0x37: {  	[spmem:s15], [sflag:s7] =	dma.local [hbm:s4], $0x2C00  }
0x38: {  	[tilespmem:s14], [sflag:$0x7] =	stream.linear.gather [hbm4b:s10+s5], $0x80, $0x38;
	[tilespmem:$0x1E280] =	vst v63  }
0x39: {  	_ =	swait.ge [sflag:s17], $0x80  }
0x3a: {  	[sflag:s17] =	ssyncset.done $0x0  }
0x3b: {  	[sflag:s17] =	ssyncadd.s32 $0xFFFFFF80  }
0x3c: {  	v5 =	vld [tilespmem:$0x1E200];
	_ =	sdelay $0x4  }
0x3d: {  	v5 =	vxor.u32 $0x80000000, v5  }
0x3e: {  	(xrf0) =	vmax.scan.msk.u32 $0xffff, v5;
	_ =	sdelay $0x5  }
0x3f: {  	v5, _, _ =	vpop (xrf0)  }
0x40: {  	(v2sf) =	vpush v5, $0xF;
	_ =	sdelay $0xe  }
0x41: {  	s16 =	spop (v2sf)  }
0x42: {  	s4 =	sadd.s32 $0x800003FF, s16  }
0x43: {  	s14 =	sand.u32 $0x3FF, s4  }
0x44: {  	s16 =	sshra.s32 s4, $0x1F;
	p0 =	slt.s32 s4, $0x1;
	p1 =	sne.s32 s14, $0x0  }
0x45: {  	s7 =	sshrl.u32 s16, $0x16;
	p0 =	por !p0, !p1  }
0x46: {  	s14 =	simm.s32 $0x1;
	s4 =	sadd.s32 s7, s4;
	p0 =	por !p0, !p0  }
0x47: {  	s4 =	sshra.s32 s4, $0xA;
	s14 =	simm.s32 @!p0 $0x0  }
0x48: {  	s4 =	ssub.s32 s4, s14  }
0x49: {  	s14 =	sadd.s32 $0x1, s4  }
0x4a: {  	s9 =	sand.u32 $0x1, s14  }
0x4b: {  	p5 =	slt.s32 s4, $0x0;
	p6 =	seq.s32 s9, $0x1  }
0x4c: {  	s7 =	sshrl.u32 s14, $0x1F;
	p0 =	por !p5, !p6  }
0x4d: {  	s4 =	sadd.s32 s7, s14;
	s14 =	simm.s32 $0x1;
	p0 =	por !p0, !p0  }
0x4e: {  	s4 =	sshra.s32 s4, $0x1;
	s14 =	simm.s32 @!p0 $0x0  }
0x4f: {  	s14 =	ssub.s32 s4, s14  }
0x50: {  	s16 =	sshll.u32 s14, $0x1  }
0x51: {  	p0 =	sgt.s32 s16, $0x2  }
0x52: {  	s16 =	simm.s32 @!p0 $0x2  }
0x53: {  	s4 =	smul.u32 s16, s8  }
0x54: {  	_ =	swait.ge [sflag:s19], $0x2C00  }
0x55: {  	[sflag:s19] =	ssyncset.done $0x0;
	s9 =	sadd.s32 s11, s4  }
0x56: {  	[sflag:s19] =	ssyncadd.s32 $0xFFFFD400;
	s7 =	sshrl.u32 s9, $0x3  }
0x57: {  	[bflag:$0x0] =	sbarrier.arrive $0xFFFF;
	s9 =	sadd.s32 s2, s7  }
0x58: {  	[tilespmem:s20], [sflag:$0x5] =	stream.linear.gather [hbm4b:s9+s5], $0x40, $0x38;
	[tilespmem:$0x1E280] =	vst v63  }
0x59: {  	s9 =	sadd.s32 s6, s7  }
0x5a: {  	[tilespmem:s21], [sflag:$0x5] =	stream.linear.gather [hbm4b:s9+s5], $0x40, $0x38;
	[tilespmem:$0x1E280] =	vst v63  }
0x5b: {  	_ =	swait.ge [sflag:s22], $0x40  }
0x5c: {  	[sflag:s22] =	ssyncset.done $0x0  }
0x5d: {  	[sflag:s22] =	ssyncadd.s32 $0xFFFFFFC0  }
0x5e: {  	_ =	swait.ge [sflag:s22], $0x40  }
0x5f: {  	[sflag:s22] =	ssyncset.done $0x0  }
0x60: {  	[sflag:s22] =	ssyncadd.s32 $0xFFFFFFC0  }
0x61: {  	v5 =	vld [tilespmem:$0x16000]  }
0x62: {  	v6 =	vld [tilespmem:$0x16100]  }
0x63: {  	v7 =	vld [tilespmem:$0x16010]  }
0x64: {  	v8 =	vld [tilespmem:$0x16110]  }
0x65: {  	v9 =	vld [tilespmem:$0x16020]  }
0x66: {  	v10 =	vld [tilespmem:$0x16120]  }
0x67: {  	v11 =	vld [tilespmem:$0x16030]  }
0x68: {  	v12 =	vld [tilespmem:$0x16130];
	_ =	sdelay $0x1  }
0x69: {  	vm0 =	veq.s32 v5, v6;
	v5 =	vsub.s32 v5, v0  }
0x6a: {  	vm9 =	veq.s32 v7, v8;
	v6 =	vsub.s32 v7, v0;
	v5 =	vsel vm0, v1, v5  }
0x6b: {  	vm10 =	veq.s32 v9, v10;
	[tilespmem:$0x16000] =	vst v5;
	v5 =	vsel vm9, v2, v6;
	v6 =	vsub.s32 v9, v0  }
0x6c: {  	vm11 =	veq.s32 v11, v12;
	[tilespmem:$0x16010] =	vst v5;
	v5 =	vsel vm10, v3, v6;
	v6 =	vsub.s32 v11, v0  }
0x6d: {  	[tilespmem:$0x16020] =	vst v5;
	v5 =	vsel vm11, v4, v6  }
0x6e: {  	s7 =	sor.u32 $0x8, s7;
	[tilespmem:$0x16030] =	vst v5  }
0x6f: {  	[tilespmem:s24], [sflag:$0x1] =	stream.indirect.gather [hbm4b:s1+s23], $0x100, s21, s23, $0xb8;
	[tilespmem:$0x1E280] =	vst v63  }
0x70: {  	s9 =	sadd.s32 s2, s7  }
0x71: {  	[tilespmem:s25], [sflag:$0x6] =	stream.linear.gather [hbm4b:s9+s5], $0x40, $0x38;
	[tilespmem:$0x1E280] =	vst v63  }
0x72: {  	s7 =	sadd.s32 s6, s7  }
0x73: {  	[tilespmem:s26], [sflag:$0x6] =	stream.linear.gather [hbm4b:s7+s5], $0x40, $0x38;
	[tilespmem:$0x1E280] =	vst v63  }
0x74: {  	_ =	swait.ge [sflag:s28], $0x40  }
0x75: {  	[sflag:s28] =	ssyncset.done $0x0  }
0x76: {  	[sflag:s28] =	ssyncadd.s32 $0xFFFFFFC0  }
0x77: {  	_ =	swait.ge [sflag:s28], $0x40  }
0x78: {  	[sflag:s28] =	ssyncset.done $0x0  }
0x79: {  	[sflag:s28] =	ssyncadd.s32 $0xFFFFFFC0  }
0x7a: {  	v5 =	vld [tilespmem:$0x16080]  }
0x7b: {  	v6 =	vld [tilespmem:$0x16180]  }
0x7c: {  	v7 =	vld [tilespmem:$0x16090]  }
0x7d: {  	v59 =	vld [tilespmem:$0x16190]  }
0x7e: {  	v60 =	vld [tilespmem:$0x160A0]  }
0x7f: {  	v61 =	vld [tilespmem:$0x161A0]  }
0x80: {  	v62 =	vld [tilespmem:$0x160B0]  }
0x81: {  	v63 =	vld [tilespmem:$0x161B0];
	_ =	sdelay $0x1  }
0x82: {  	vm12 =	veq.s32 v5, v6;
	v5 =	vsub.s32 v5, v0  }
0x83: {  	p0 =	slt.s32 s14, $0x2;
	vm13 =	veq.s32 v7, v59;
	v6 =	vsub.s32 v7, v0;
	v5 =	vsel vm12, v1, v5  }
.Ltmp2:
0x84: {  	vm14 =	veq.s32 v60, v61;
	[tilespmem:$0x16080] =	vst v5;
	v5 =	vsel vm13, v2, v6;
	v6 =	vsub.s32 v60, v0;
	(pc) =	sbr.rel @p0 .LBB2_5-.Ltmp2, $4  }
0x85: {  	vm15 =	veq.s32 v62, v63;
	[tilespmem:$0x16090] =	vst v5;
	v5 =	vsel vm14, v3, v6;
	v6 =	vsub.s32 v62, v0  }
0x86: {  	[tilespmem:$0x160A0] =	vst v5;
	v5 =	vsel vm15, v4, v6  }
0x87: {  	[tilespmem:$0x160B0] =	vst v5  }
0x88: {  	[tilespmem:s29], [sflag:$0x2] =	stream.indirect.gather [hbm4b:s1+s23], $0x100, s26, s23, $0xb8;
	[tilespmem:$0x1E280] =	vst v63  }
0x89: {  	_ =	swait.ge [sflag:s18], $0x4000  }
0x8a: {  	[sflag:s18] =	ssyncset.done $0x0;
	s7 =	rddreg [dreg:$0x6]  }
0x8b: {  	s4 =	sadd.s32 s4, s7;
	[sflag:s18] =	ssyncadd.s32 $0xFFFFC000  }
0x8c: {  	[spmem:s3] =	stream.indirect.scatter.add.f32 [tilespmem:s24], [sflag:$0x3], $0x100, s20, s23, $0xb8;
	[tilespmem:$0x1E280] =	vst v63  }
0x8d: {  	s7 =	sadd.s32 $0xFFFFFFC0, s4;
	_ =	swait.ge [sflag:s19], $0x4000  }
0x8e: {  	s7 =	sshrl.u32 s7, $0x3;
	[sflag:s19] =	ssyncset.done $0x0  }
0x8f: {  	s9 =	sadd.s32 s2, s7;
	[sflag:s19] =	ssyncadd.s32 $0xFFFFC000  }
0x90: {  	[tilespmem:s20], [sflag:$0x5] =	stream.linear.gather [hbm4b:s9+s5], $0x40, $0x38;
	[tilespmem:$0x1E280] =	vst v63  }
0x91: {  	s7 =	sadd.s32 s6, s7  }
0x92: {  	[tilespmem:s21], [sflag:$0x5] =	stream.linear.gather [hbm4b:s7+s5], $0x40, $0x38;
	[tilespmem:$0x1E280] =	vst v63  }
0x93: {  	_ =	swait.ge [sflag:s22], $0x40  }
0x94: {  	[sflag:s22] =	ssyncset.done $0x0  }
0x95: {  	[sflag:s22] =	ssyncadd.s32 $0xFFFFFFC0  }
0x96: {  	_ =	swait.ge [sflag:s22], $0x40  }
0x97: {  	[sflag:s22] =	ssyncset.done $0x0  }
0x98: {  	[sflag:s22] =	ssyncadd.s32 $0xFFFFFFC0  }
0x99: {  	v5 =	vld [tilespmem:$0x16130]  }
0x9a: {  	v6 =	vld [tilespmem:$0x16110]  }
0x9b: {  	v7 =	vld [tilespmem:$0x16120]  }
0x9c: {  	v8 =	vld [tilespmem:$0x16010]  }
0x9d: {  	v9 =	vld [tilespmem:$0x16100]  }
0x9e: {  	v10 =	vld [tilespmem:$0x16030]  }
0x9f: {  	v12 =	vld [tilespmem:$0x16020]  }
0xa0: {  	v11 =	vld [tilespmem:$0x16000];
	_ =	sdelay $0x1  }
0xa1: {  	vm0 =	veq.s32 v8, v6;
	v6 =	vsub.s32 v8, v0  }
0xa2: {  	vm14 =	veq.s32 v10, v5;
	v5 =	vsub.s32 v10, v0;
	v6 =	vsel vm0, v2, v6  }
0xa3: {  	vm15 =	veq.s32 v12, v7;
	v7 =	vsub.s32 v12, v0;
	v5 =	vsel vm14, v4, v5;
	[tilespmem:$0x16010] =	vst v6  }
0xa4: {  	vm1 =	veq.s32 v11, v9;
	v6 =	vsub.s32 v11, v0;
	[tilespmem:$0x16030] =	vst v5;
	v5 =	vsel vm15, v3, v7  }
0xa5: {  	v6 =	vsel vm1, v1, v6;
	[tilespmem:$0x16020] =	vst v5  }
0xa6: {  	[tilespmem:$0x16000] =	vst v6  }
0xa7: {  	[tilespmem:s24], [sflag:$0x1] =	stream.indirect.gather [hbm4b:s1+s23], $0x100, s21, s23, $0xb8;
	[tilespmem:$0x1E280] =	vst v63  }
0xa8: {  	_ =	swait.ge [sflag:s30], $0x4000  }
0xa9: {  	[sflag:s30] =	ssyncset.done $0x0  }
0xaa: {  	[sflag:s30] =	ssyncadd.s32 $0xFFFFC000  }
0xab: {  	[spmem:s3] =	stream.indirect.scatter.add.f32 [tilespmem:s29], [sflag:$0x4], $0x100, s25, s23, $0xb8;
	[tilespmem:$0x1E280] =	vst v63  }
0xac: {  	_ =	swait.ge [sflag:s31], $0x4000  }
0xad: {  	s7 =	sshrl.u32 s4, $0x3;
	[sflag:s31] =	ssyncset.done $0x0  }
0xae: {  	s14 =	sadd.s32 s2, s7;
	[sflag:s31] =	ssyncadd.s32 $0xFFFFC000  }
0xaf: {  	[tilespmem:s25], [sflag:$0x6] =	stream.linear.gather [hbm4b:s14+s5], $0x40, $0x38;
	[tilespmem:$0x1E280] =	vst v63  }
0xb0: {  	s16 =	sshrl.u32 s16, $0x1;
	s7 =	sadd.s32 s6, s7  }
0xb1: {  	[tilespmem:s26], [sflag:$0x6] =	stream.linear.gather [hbm4b:s7+s5], $0x40, $0x38;
	[tilespmem:$0x1E280] =	vst v63  }
0xb2: {  	s7 =	smax.u32 s16, $0x2  }
0xb3: {  	_ =	swait.ge [sflag:s28], $0x40;
	s7 =	sadd.s32 $0xFFFFFFFF, s7  }
0xb4: {  	[sflag:s28] =	ssyncset.done $0x0;
	p0 =	sne.s32 s7, $0x1  }
.Ltmp3:
0xb5: {  	[sflag:s28] =	ssyncadd.s32 $0xFFFFFFC0;
	(pc) =	sbr.rel @!p0 .LBB2_4-.Ltmp3, $4  }
0xb6: {  	_ =	swait.ge [sflag:s28], $0x40  }
0xb7: {  	[sflag:s28] =	ssyncset.done $0x0  }
0xb8: {  	[sflag:s28] =	ssyncadd.s32 $0xFFFFFFC0  }
0xb9: {  	s16 =	sadd.s32 $0xFFFFFFFF, s7;
	v5 =	vld [tilespmem:$0x160B0]  }
.LBB2_3:
0xba: {  	p0 =	sne.s32 s16, $0x1;
	s16 =	sadd.s32 $0xFFFFFFFF, s16;
	v6 =	vld [tilespmem:$0x161B0];
	s4 =	sadd.s32 $0x80, s4  }
0xbb: {  	v7 =	vld [tilespmem:$0x16090]  }
0xbc: {  	v8 =	vld [tilespmem:$0x16190]  }
0xbd: {  	v9 =	vld [tilespmem:$0x160A0]  }
0xbe: {  	v10 =	vld [tilespmem:$0x161A0]  }
0xbf: {  	v11 =	vld [tilespmem:$0x16080]  }
0xc0: {  	v12 =	vld [tilespmem:$0x16180]  }
0xc1: {  	vm0 =	veq.s32 v7, v8;
	v7 =	vsub.s32 v7, v0  }
0xc2: {  	v7 =	vsel vm0, v2, v7;
	v8 =	vsub.s32 v9, v0  }
0xc3: {  	vm1 =	veq.s32 v5, v6;
	v5 =	vsub.s32 v5, v0;
	[tilespmem:$0x16090] =	vst v7;
	vm0 =	veq.s32 v9, v10  }
0xc4: {  	v5 =	vsel vm1, v4, v5;
	v6 =	vsub.s32 v11, v0  }
0xc5: {  	v7 =	vsel vm0, v3, v8;
	vm1 =	veq.s32 v11, v12;
	[tilespmem:$0x160B0] =	vst v5  }
0xc6: {  	v5 =	vsel vm1, v1, v6;
	[tilespmem:$0x160A0] =	vst v7  }
0xc7: {  	[tilespmem:$0x16080] =	vst v5  }
0xc8: {  	[tilespmem:s29], [sflag:$0x2] =	stream.indirect.gather [hbm4b:s1+s23], $0x100, s26, s23, $0xb8;
	[tilespmem:$0x1E280] =	vst v63  }
0xc9: {  	_ =	swait.ge [sflag:s18], $0x4000  }
0xca: {  	[sflag:s18] =	ssyncset.done $0x0  }
0xcb: {  	[sflag:s18] =	ssyncadd.s32 $0xFFFFC000  }
0xcc: {  	[spmem:s3] =	stream.indirect.scatter.add.f32 [tilespmem:s24], [sflag:$0x3], $0x100, s20, s23, $0xb8;
	[tilespmem:$0x1E280] =	vst v63  }
0xcd: {  	s7 =	sadd.s32 $0xFFFFFFC0, s4;
	_ =	swait.ge [sflag:s19], $0x4000  }
0xce: {  	s7 =	sshrl.u32 s7, $0x3;
	[sflag:s19] =	ssyncset.done $0x0  }
0xcf: {  	s9 =	sadd.s32 s2, s7;
	[sflag:s19] =	ssyncadd.s32 $0xFFFFC000  }
0xd0: {  	[tilespmem:s20], [sflag:$0x5] =	stream.linear.gather [hbm4b:s9+s5], $0x40, $0x38;
	[tilespmem:$0x1E280] =	vst v63  }
0xd1: {  	s7 =	sadd.s32 s6, s7  }
0xd2: {  	[tilespmem:s21], [sflag:$0x5] =	stream.linear.gather [hbm4b:s7+s5], $0x40, $0x38;
	[tilespmem:$0x1E280] =	vst v63  }
0xd3: {  	_ =	swait.ge [sflag:s22], $0x40  }
0xd4: {  	[sflag:s22] =	ssyncset.done $0x0  }
0xd5: {  	[sflag:s22] =	ssyncadd.s32 $0xFFFFFFC0  }
0xd6: {  	_ =	swait.ge [sflag:s22], $0x40  }
0xd7: {  	[sflag:s22] =	ssyncset.done $0x0  }
0xd8: {  	[sflag:s22] =	ssyncadd.s32 $0xFFFFFFC0  }
0xd9: {  	v5 =	vld [tilespmem:$0x16130]  }
0xda: {  	v6 =	vld [tilespmem:$0x16110]  }
0xdb: {  	v7 =	vld [tilespmem:$0x16120]  }
0xdc: {  	v8 =	vld [tilespmem:$0x16010]  }
0xdd: {  	v9 =	vld [tilespmem:$0x16100]  }
0xde: {  	v10 =	vld [tilespmem:$0x16030]  }
0xdf: {  	v11 =	vld [tilespmem:$0x16000]  }
0xe0: {  	v12 =	vld [tilespmem:$0x16020]  }
0xe1: {  	vm0 =	veq.s32 v8, v6;
	v6 =	vsub.s32 v8, v0  }
0xe2: {  	v6 =	vsel vm0, v2, v6  }
0xe3: {  	[tilespmem:$0x16010] =	vst v6;
	vm0 =	veq.s32 v10, v5;
	v5 =	vsub.s32 v10, v0  }
0xe4: {  	vm1 =	veq.s32 v11, v9;
	v6 =	vsub.s32 v11, v0;
	v5 =	vsel vm0, v4, v5  }
0xe5: {  	v6 =	vsel vm1, v1, v6;
	vm0 =	veq.s32 v12, v7;
	v7 =	vsub.s32 v12, v0;
	[tilespmem:$0x16030] =	vst v5  }
0xe6: {  	[tilespmem:$0x16000] =	vst v6;
	v5 =	vsel vm0, v3, v7  }
0xe7: {  	[tilespmem:$0x16020] =	vst v5  }
0xe8: {  	[tilespmem:s24], [sflag:$0x1] =	stream.indirect.gather [hbm4b:s1+s23], $0x100, s21, s23, $0xb8;
	[tilespmem:$0x1E280] =	vst v63  }
0xe9: {  	_ =	swait.ge [sflag:s30], $0x4000  }
0xea: {  	[sflag:s30] =	ssyncset.done $0x0  }
0xeb: {  	[sflag:s30] =	ssyncadd.s32 $0xFFFFC000  }
0xec: {  	[spmem:s3] =	stream.indirect.scatter.add.f32 [tilespmem:s29], [sflag:$0x4], $0x100, s25, s23, $0xb8;
	[tilespmem:$0x1E280] =	vst v63  }
0xed: {  	_ =	swait.ge [sflag:s31], $0x4000  }
0xee: {  	s7 =	sshrl.u32 s4, $0x3;
	[sflag:s31] =	ssyncset.done $0x0  }
0xef: {  	s9 =	sadd.s32 s2, s7;
	[sflag:s31] =	ssyncadd.s32 $0xFFFFC000  }
0xf0: {  	[tilespmem:s25], [sflag:$0x6] =	stream.linear.gather [hbm4b:s9+s5], $0x40, $0x38;
	[tilespmem:$0x1E280] =	vst v63  }
0xf1: {  	s7 =	sadd.s32 s6, s7  }
0xf2: {  	[tilespmem:s26], [sflag:$0x6] =	stream.linear.gather [hbm4b:s7+s5], $0x40, $0x38;
	[tilespmem:$0x1E280] =	vst v63  }
0xf3: {  	_ =	swait.ge [sflag:s28], $0x40  }
0xf4: {  	[sflag:s28] =	ssyncset.done $0x0  }
.Ltmp4:
0xf5: {  	[sflag:s28] =	ssyncadd.s32 $0xFFFFFFC0;
	(pc) =	sbr.rel @p0 .LBB2_3-.Ltmp4, $4  }
0xf6: {  	_ =	swait.ge [sflag:s28], $0x40  }
0xf7: {  	[sflag:s28] =	ssyncset.done $0x0  }
0xf8: {  	[sflag:s28] =	ssyncadd.s32 $0xFFFFFFC0  }
0xf9: {  	v5 =	vld [tilespmem:$0x160B0]  }
.Ltmp5:
0xfa: {  	_ = 	snop;
	(pc) =	sbr.rel .LBB2_4-.Ltmp5, $1  }
0xfb: {  	_ =	sdelay $0x3  }
.LBB2_6:
0xfc: {  	_ =	sfence.sel $0x180000  }
0xfd: {  	[bflag:$0x0] =	sbarrier.arrive $0xFFFF  }
0xfe: {  	_ =	strace $0x90000047  }
0xff: {  	s0 =	stileid.u32;
	[bflag:$0x2] =	sbarrier.arrive $0xFFFF  }
0x100: {  	p0 =	sne.s32 s0, $0x0;
	s0 =	rddreg [dreg:$0x3]  }
0x101: {  	s0 =	sadd.s32 @!p0 $0x100000, s0  }
0x102: {  	[sflag:s0] =	ssyncadd.tile.s32 @!p0 $0x1;
	_ =	shalt  }
.Lfunc_end2:
_tile_overlayer_lowered:
.L_overlay_start_2:
0x103: {  	(tag) =	ssettag $0x2  }
0x104: {  	s0 =	rddreg [dreg:$0x0];
	s2 =	stileid.u32  }
0x105: {  	s1 =	rddreg [dreg:$0x1];
	p0 =	sne.s32 s2, $0x0  }
0x106: {  	s3 =	rddreg [dreg:$0x2];
	[bflag:$0x3] =	sbarrier.arrive $0xFFFF;
	s2 =	simm.s32 @!p0 $0x1C07  }
0x107: {  	[timem:s3], [sflag:s2] =	dma.local @!p0 [hbm:s0], s1  }
0x108: {  	s0 =	simm.s32 @!p0 $0x7  }
0x109: {  	_ =	swait.ge @!p0 [sflag:s0], s1  }
0x10a: {  	s1 =	ssub.s32 @!p0 $0x0, s1;
	[sflag:s0] =	ssyncset.done @!p0 $0x0  }
0x10b: {  	[sflag:s0] =	ssyncadd.s32 @!p0 s1  }
0x10c: {  	[bflag:$0x3] =	sbarrier.arrive $0xFFFF  }
0x10d: {  	_ =	shalt  }

</sc_bundles>
